<compile_context>
chip_gen: v7x
topology: tpu7x:2x2x1
jax: 0.10.2.dev20260603
libtpu: 0.0.44.dev20260713+nightly
codegen_flags: <defaults>
</compile_context>

<pallas_src>
import functools

import jax
import jax.numpy as jnp
from jax import lax
from jax.experimental import pallas as pl
from jax.experimental.pallas import tpu as pltpu
from jax.experimental.pallas import tpu_sc as plsc

_B = 16
_T = 256
_ND = 4
_NC = 6
_BINS = 256
_SA = 8
_D = 1024
_NTOK = _B * _T

_SC_CORES = 2
_SC_SUBCORES = 16
_NW = _SC_CORES * _SC_SUBCORES
_CH = 8
_RPC = _CH * _ND

_SLICES = (3072, 1024)


def _make_sc_gather_sum(ntok):
    tpw = ntok // _NW
    nchunk = tpw // _CH
    mesh = plsc.VectorSubcoreMesh(core_axis_name="c", subcore_axis_name="s")

    @functools.partial(
        pl.kernel,
        mesh=mesh,
        out_type=jax.ShapeDtypeStruct((ntok, _D), jnp.float32),
        scratch_types=[
            pltpu.VMEM((tpw * _ND,), jnp.int32),
            pltpu.VMEM((_RPC, _D), jnp.float32),
            pltpu.VMEM((_RPC, _D), jnp.float32),
            pltpu.VMEM((_CH, _D), jnp.float32),
            pltpu.VMEM((_CH, _D), jnp.float32),
            pltpu.SemaphoreType.DMA,
            pltpu.SemaphoreType.DMA,
            pltpu.SemaphoreType.DMA,
            pltpu.SemaphoreType.DMA,
        ],
    )
    def gather_sum(table_hbm, idx_hbm, out_hbm, idx_v, buf_a, buf_b,
                   acc_a, acc_b, sem_a, sem_b, sem_oa, sem_ob):
        wid = lax.axis_index("s") * _SC_CORES + lax.axis_index("c")
        tok0 = wid * tpw
        pltpu.sync_copy(idx_hbm.at[pl.ds(tok0 * _ND, tpw * _ND)], idx_v)

        def compute(buf, acc):
            @plsc.parallel_loop(0, _CH * 16, 1, unroll=4)
            def cbody(i):
                t = i >> 4
                dd = i & 15
                for u in range(4):
                    sl = pl.ds(dd * 64 + u * 16, 16)
                    acc[t, sl] = ((buf[4 * t + 0, sl] + buf[4 * t + 1, sl])
                                  + (buf[4 * t + 2, sl] + buf[4 * t + 3, sl]))

        def wait_gather(buf, sem):
            pltpu.make_async_copy(
                table_hbm.at[idx_v.at[pl.ds(0, _RPC)]], buf, sem).wait()

        def wait_out(acc, sem):
            pltpu.make_async_copy(
                acc, out_hbm.at[pl.ds(tok0, _CH)], sem).wait()

        pltpu.async_copy(table_hbm.at[idx_v.at[pl.ds(0, _RPC)]], buf_a, sem_a)

        def pbody(p, carry):
            c0 = 2 * p
            pltpu.async_copy(
                table_hbm.at[idx_v.at[pl.ds((c0 + 1) * _RPC, _RPC)]],
                buf_b, sem_b)
            wait_gather(buf_a, sem_a)

            @pl.when(p > 0)
            def _():
                wait_out(acc_a, sem_oa)
            compute(buf_a, acc_a)
            pltpu.async_copy(
                acc_a, out_hbm.at[pl.ds(tok0 + c0 * _CH, _CH)], sem_oa)

            @pl.when(p + 1 < nchunk // 2)
            def _():
                pltpu.async_copy(
                    table_hbm.at[idx_v.at[pl.ds((c0 + 2) * _RPC, _RPC)]],
                    buf_a, sem_a)
            wait_gather(buf_b, sem_b)

            @pl.when(p > 0)
            def _():
                wait_out(acc_b, sem_ob)
            compute(buf_b, acc_b)
            pltpu.async_copy(
                acc_b, out_hbm.at[pl.ds(tok0 + (c0 + 1) * _CH, _CH)], sem_ob)
            return carry

        lax.fori_loop(0, nchunk // 2, pbody, 0)
        wait_out(acc_a, sem_oa)
        wait_out(acc_b, sem_ob)

    return gather_sum


@functools.lru_cache(maxsize=None)
def _sc_gather_sum_cached(ntok):
    return _make_sc_gather_sum(ntok)


_TT = 256


def _expand_first_body(vec_ref, cont_ref, w_ref, comp_ref, lb_ref, out_ref):
    base = jnp.sum(comp_ref[...], axis=0) + jnp.sum(lb_ref[...], axis=0)[None, :]
    tok = vec_ref[...] + jnp.dot(cont_ref[...], w_ref[...],
                                 preferred_element_type=jnp.float32)
    out_ref[...] = tok[:, None, :] + base[None, :, :]


def _expand_chain_body(prev_ref, vec_ref, cont_ref, w_ref, comp_ref, lb_ref,
                       out_ref):
    del prev_ref
    _expand_first_body(vec_ref, cont_ref, w_ref, comp_ref, lb_ref, out_ref)


def _expand_onehot_body(disc_ref, tbl_ref, cont_ref, w_ref, comp_ref, lb_ref,
                        out_ref):
    tt = disc_ref.shape[0]
    iota = lax.broadcasted_iota(jnp.int32, (tt, _ND, _BINS), 2)
    oh = (iota == disc_ref[...][:, :, None]).astype(jnp.bfloat16)
    vec = jnp.dot(oh.reshape(tt, _ND * _BINS), tbl_ref[...],
                  preferred_element_type=jnp.float32)
    base = jnp.sum(comp_ref[...], axis=0) + jnp.sum(lb_ref[...], axis=0)[None, :]
    tok = vec + jnp.dot(cont_ref[...], w_ref[...],
                        preferred_element_type=jnp.float32)
    out_ref[...] = tok[:, None, :] + base[None, :, :]


def _expand_slice0_onehot(ntok, disc, tbl_bf, cont, w2d, comp, lin_b):
    nblk = ntok // _TT
    return pl.pallas_call(
        _expand_onehot_body,
        grid=(nblk,),
        in_specs=[
            pl.BlockSpec((_TT, _ND), lambda i: (i, 0)),
            pl.BlockSpec((_ND * _BINS, _D), lambda i: (0, 0)),
            pl.BlockSpec((_TT, _NC), lambda i: (i, 0)),
            pl.BlockSpec((_NC, _D), lambda i: (0, 0)),
            pl.BlockSpec((_ND + _NC, _SA, _D), lambda i: (0, 0, 0)),
            pl.BlockSpec((_NC, _D), lambda i: (0, 0)),
        ],
        out_specs=pl.BlockSpec((_TT, _SA, _D), lambda i: (i, 0, 0)),
        out_shape=jax.ShapeDtypeStruct((_NTOK, _SA, _D), jnp.float32),
        compiler_params=pltpu.CompilerParams(
            dimension_semantics=("arbitrary",)),
    )(disc, tbl_bf, cont, w2d, comp, lin_b)


def _expand_slice(tok_off, ntok, prev, vec, cont, w2d, comp, lin_b):
    nblk = ntok // _TT
    data_specs = [
        pl.BlockSpec((_TT, _D), lambda i: (i, 0)),
        pl.BlockSpec((_TT, _NC), lambda i: (i, 0)),
        pl.BlockSpec((_NC, _D), lambda i: (0, 0)),
        pl.BlockSpec((_ND + _NC, _SA, _D), lambda i: (0, 0, 0)),
        pl.BlockSpec((_NC, _D), lambda i: (0, 0)),
    ]
    blk0 = tok_off // _TT
    out_spec = pl.BlockSpec((_TT, _SA, _D),
                            lambda i, _b=blk0: (_b + i, 0, 0))
    return pl.pallas_call(
        _expand_chain_body,
        grid=(nblk,),
        in_specs=[pl.BlockSpec(memory_space=pl.ANY)] + data_specs,
        out_specs=out_spec,
        out_shape=jax.ShapeDtypeStruct((_NTOK, _SA, _D), jnp.float32),
        input_output_aliases={0: 0},
        compiler_params=pltpu.CompilerParams(
            dimension_semantics=("arbitrary",)),
    )(prev, vec, cont, w2d, comp, lin_b)


def kernel(discrete_actions, continuous_actions, emb_tables, lin_w, lin_b,
           component_tokens):
    table = emb_tables.reshape(_ND * _BINS, _D)
    idx = (discrete_actions.reshape(_NTOK, _ND).astype(jnp.int32)
           + (jnp.arange(_ND, dtype=jnp.int32) * _BINS)[None, :]).reshape(-1)
    cont = continuous_actions.reshape(_NTOK, _NC)
    w2d = lin_w[:, :, 0]
    comp = component_tokens.reshape(_ND + _NC, _SA, _D)
    disc2d = discrete_actions.reshape(_NTOK, _ND).astype(jnp.int32)
    tbl_bf = table.astype(jnp.bfloat16)

    vecs = []
    off = _SLICES[0]
    for n in _SLICES[1:]:
        vecs.append((off, n, _sc_gather_sum_cached(n)(
            table, idx[off * _ND:(off + n) * _ND])))
        off += n
    out = _expand_slice0_onehot(_SLICES[0], disc2d[:_SLICES[0]], tbl_bf,
                                cont[:_SLICES[0]], w2d, comp, lin_b)
    for off, n, vec in vecs:
        out = _expand_slice(off, n, out, vec,
                            cont[off:off + n], w2d, comp, lin_b)
    return out.reshape(_B, _T, _SA, _D)

# --- scband reference (transcript-rebuilt; emitter-appended) ---
"""Pipeline reference for scband-action-tokenizer-72636486910377 (READ-ONLY COPY).

The authoritative reference and input builder live on the scoring server;
editing this copy changes nothing except your own understanding.
"""

import jax, jax.numpy as jnp
import numpy as np

B = 16
T = 256
N_D = 4
N_C = 6
BINS = 256
S_A = 8
D_MODEL = 1024


def setup_inputs(seed: int = 0) -> dict:
    key = jax.random.key(seed)
    k1, k2, k3, k4, k5 = jax.random.split(key, 5)
    discrete_actions = jax.random.randint(k1, (B, T, N_D), 0, BINS, dtype=jnp.int64 if jax.config.jax_enable_x64 else jnp.int32)
    continuous_actions = jax.random.uniform(k2, (B, T, N_C), dtype=jnp.float32)
    # stacked embedding tables, one per discrete dim: (N_D, BINS, D_MODEL), init std=0.02
    emb_tables = jax.random.normal(k3, (N_D, BINS, D_MODEL), dtype=jnp.float32) * 0.02
    # per-continuous-dim Linear(1, D_MODEL): weight (N_C, D_MODEL, 1) xavier-ish, bias zeros
    bound = float(np.sqrt(6.0 / (1 + D_MODEL)))
    lin_w = jax.random.uniform(k4, (N_C, D_MODEL, 1), dtype=jnp.float32, minval=-bound, maxval=bound)
    lin_b = jnp.zeros((N_C, D_MODEL), dtype=jnp.float32)
    # component tokens: (N_D + N_C, 1, 1, S_A, D_MODEL), init std=0.02
    component_tokens = jax.random.normal(k5, (N_D + N_C, 1, 1, S_A, D_MODEL), dtype=jnp.float32) * 0.02
    return {
        "discrete_actions": discrete_actions,
        "continuous_actions": continuous_actions,
        "emb_tables": emb_tables,
        "lin_w": lin_w,
        "lin_b": lin_b,
        "component_tokens": component_tokens,
    }


def reference(discrete_actions, continuous_actions, emb_tables, lin_w, lin_b, component_tokens):
    Bsz, Tsz, n_d = discrete_actions.shape
    n_c = continuous_actions.shape[-1]
    S_a = component_tokens.shape[3]
    d_model = component_tokens.shape[4]
    action_offsets = jnp.zeros((Bsz, Tsz, S_a, d_model), dtype=jnp.float32)
    comp_idx = 0
    # discrete components: embedding lookup per discrete dim
    for i in range(n_d):
        disc_i = discrete_actions[..., i]                       # (B, T)
        e_i = jnp.take(emb_tables[i], disc_i, axis=0)           # (B, T, D)
        e_i_tokens = jnp.broadcast_to(e_i[:, :, None, :], (Bsz, Tsz, S_a, d_model))
        base_i = jnp.broadcast_to(component_tokens[comp_idx], (Bsz, Tsz, S_a, d_model))
        action_offsets = action_offsets + (base_i + e_i_tokens)
        comp_idx += 1
    # continuous components: Linear(1, D) per continuous dim
    for j in range(n_c):
        cont_j = continuous_actions[..., j]                     # (B, T)
        v_j = cont_j[..., None] * lin_w[j][:, 0] + lin_b[j]     # (B, T, D)
        v_j_tokens = jnp.broadcast_to(v_j[:, :, None, :], (Bsz, Tsz, S_a, d_model))
        base_j = jnp.broadcast_to(component_tokens[comp_idx], (Bsz, Tsz, S_a, d_model))
        action_offsets = action_offsets + (base_j + v_j_tokens)
        comp_idx += 1
    return action_offsets

if __name__ == "__main__":
    import jax
    _d = setup_inputs()
    print(jax.jit(kernel)(*tuple(_d.values())))

</pallas_src>

<mosaic_0001>
#map = affine_map<(d0, d1) -> (0, 0)>
#map1 = affine_map<(d0, d1) -> (0)>
module attributes {stable_mosaic.version = 14 : i64} {
  func.func @gather_sum(%arg0: i32, %arg1: i32, %arg2: memref<1024x1024xf32, #tpu.memory_space<hbm>>, %arg3: memref<4096xi32, #tpu.memory_space<hbm>>, %arg4: memref<1024x1024xf32, #tpu.memory_space<hbm>>, %arg5: memref<128xi32, #tpu.memory_space<vmem>>, %arg6: memref<32x1024xf32, #tpu.memory_space<vmem>>, %arg7: memref<32x1024xf32, #tpu.memory_space<vmem>>, %arg8: memref<8x1024xf32, #tpu.memory_space<vmem>>, %arg9: memref<8x1024xf32, #tpu.memory_space<vmem>>, %arg10: memref<!tpu.dma_semaphore, #tpu.memory_space<semaphore_mem>>, %arg11: memref<!tpu.dma_semaphore, #tpu.memory_space<semaphore_mem>>, %arg12: memref<!tpu.dma_semaphore, #tpu.memory_space<semaphore_mem>>, %arg13: memref<!tpu.dma_semaphore, #tpu.memory_space<semaphore_mem>>) attributes {dimension_semantics = [#tpu.dimension_semantics<core_parallel>, #tpu.dimension_semantics<subcore_parallel>], iteration_bounds = array<i64: 2, 16>, scalar_prefetch = 0 : i64, scratch_operands = 9 : i64, tpu.core_type = #tpu.core_type<sc_vector_subcore>, window_params = [{transform_indices = #map}, {transform_indices = #map1}, {transform_indices = #map}]} {
    %mul3A = arith.constant 2 : i32
    %mul3A_0 = arith.muli %arg1, %mul3A : i32
    %add3A = arith.addi %mul3A_0, %arg0 : i32
    %mul3A_1 = arith.constant 32 : i32
    %mul3A_2 = arith.muli %add3A, %mul3A_1 : i32
    %mul3A_3 = arith.constant 4 : i32
    %mul3A_4 = arith.muli %mul3A_2, %mul3A_3 : i32
    "tpu.region"() ({
      %run_scoped3A = tpu.sem_alloc : memref<!tpu.dma_semaphore, #tpu.memory_space<semaphore_mem>>
      %dma_start3A_21 = tpu.memref_slice %arg3[%mul3A_4] : memref<4096xi32, #tpu.memory_space<hbm>> -> memref<128xi32, #tpu.memory_space<hbm>>
      %dma_start3A_22 = tpu.memref_slice %arg3[%mul3A_4] : memref<4096xi32, #tpu.memory_space<hbm>> -> memref<128xi32, #tpu.memory_space<hbm>>
      tpu.enqueue_dma source(%dma_start3A_22 : memref<128xi32, #tpu.memory_space<hbm>>) target(%arg5 : memref<128xi32, #tpu.memory_space<vmem>>) target_semaphore(%run_scoped3A : memref<!tpu.dma_semaphore, #tpu.memory_space<semaphore_mem>>)
      %dma_wait3A_23 = tpu.memref_slice %arg3[%mul3A_4] : memref<4096xi32, #tpu.memory_space<hbm>> -> memref<128xi32, #tpu.memory_space<hbm>>
      %dma_wait3A_24 = tpu.memref_slice %arg3[%mul3A_4] : memref<4096xi32, #tpu.memory_space<hbm>> -> memref<128xi32, #tpu.memory_space<hbm>>
      tpu.wait_dma2 semaphore(%run_scoped3A : memref<!tpu.dma_semaphore, #tpu.memory_space<semaphore_mem>>) src(%dma_wait3A_24 : memref<128xi32, #tpu.memory_space<hbm>>) dst(%arg5 : memref<128xi32, #tpu.memory_space<vmem>>)
      tpu.yield
    }) : () -> ()
    %dma_start3A = arith.constant 0 : i32
    %dma_start3A_5 = tpu.memref_slice %arg5[%dma_start3A] : memref<128xi32, #tpu.memory_space<vmem>> -> memref<32xi32, #tpu.memory_space<vmem>>
    %dma_start3A_6 = arith.constant 0 : i32
    %dma_start3A_7 = arith.constant 0 : i32
    %dma_start3A_8 = tpu.memref_slice %arg2[%dma_start3A_6, %dma_start3A_7] : memref<1024x1024xf32, #tpu.memory_space<hbm>> -> memref<1024x1024xf32, #tpu.memory_space<hbm>>
    tpu.enqueue_indirect_dma source(%dma_start3A_8 : memref<1024x1024xf32, #tpu.memory_space<hbm>>) target(%arg6 : memref<32x1024xf32, #tpu.memory_space<vmem>>) offsets(%dma_start3A_5 : memref<32xi32, #tpu.memory_space<vmem>>) semaphore(%arg10 : memref<!tpu.dma_semaphore, #tpu.memory_space<semaphore_mem>>)
    %scan3A = arith.constant 0 : i32
    %scan3A_9 = arith.constant 0 : i32
    %scan3A_10 = arith.constant 2 : i32
    %scan3A_11 = arith.addi %scan3A_9, %scan3A_10 : i32
    %scan3A_12 = arith.constant 1 : i32
    scf.for %scan3A_21 = %scan3A_9 to %scan3A_11 step %scan3A_12  : i32 {
      %mul3A_22 = arith.constant 2 : i32
      %mul3A_23 = arith.muli %mul3A_22, %scan3A_21 : i32
      %add3A_24 = arith.constant 1 : i32
      %add3A_25 = arith.addi %mul3A_23, %add3A_24 : i32
      %mul3A_26 = arith.constant 32 : i32
      %mul3A_27 = arith.muli %add3A_25, %mul3A_26 : i32
      %dma_start3A_28 = tpu.memref_slice %arg5[%mul3A_27] : memref<128xi32, #tpu.memory_space<vmem>> -> memref<32xi32, #tpu.memory_space<vmem>>
      %dma_start3A_29 = arith.constant 0 : i32
      %dma_start3A_30 = arith.constant 0 : i32
      %dma_start3A_31 = tpu.memref_slice %arg2[%dma_start3A_29, %dma_start3A_30] : memref<1024x1024xf32, #tpu.memory_space<hbm>> -> memref<1024x1024xf32, #tpu.memory_space<hbm>>
      tpu.enqueue_indirect_dma source(%dma_start3A_31 : memref<1024x1024xf32, #tpu.memory_space<hbm>>) target(%arg7 : memref<32x1024xf32, #tpu.memory_space<vmem>>) offsets(%dma_start3A_28 : memref<32xi32, #tpu.memory_space<vmem>>) semaphore(%arg11 : memref<!tpu.dma_semaphore, #tpu.memory_space<semaphore_mem>>)
      %dma_wait3A_32 = arith.constant 0 : i32
      %dma_wait3A_33 = tpu.memref_slice %arg5[%dma_wait3A_32] : memref<128xi32, #tpu.memory_space<vmem>> -> memref<32xi32, #tpu.memory_space<vmem>>
      %dma_wait3A_34 = arith.constant 0 : i32
      %dma_wait3A_35 = arith.constant 0 : i32
      %dma_wait3A_36 = tpu.memref_slice %arg2[%dma_wait3A_34, %dma_wait3A_35] : memref<1024x1024xf32, #tpu.memory_space<hbm>> -> memref<1024x1024xf32, #tpu.memory_space<hbm>>
      tpu.wait_indirect_dma semaphore(%arg10 : memref<!tpu.dma_semaphore, #tpu.memory_space<semaphore_mem>>) src(%dma_wait3A_36 : memref<1024x1024xf32, #tpu.memory_space<hbm>>) dst(%arg6 : memref<32x1024xf32, #tpu.memory_space<vmem>>)
      %gt3A = arith.constant 0 : i32
      %gt3A_37 = arith.cmpi sgt, %scan3A_21, %gt3A : i32
      %convert_element_type3A = arith.extui %gt3A_37 : i1 to i32
      %cond3A = arith.constant 0 : i32
      %cond3A_38 = arith.cmpi ne, %convert_element_type3A, %cond3A : i32
      scf.if %cond3A_38 {
        %dma_wait3A_76 = arith.constant 0 : i32
        %dma_wait3A_77 = tpu.memref_slice %arg4[%mul3A_2, %dma_wait3A_76] : memref<1024x1024xf32, #tpu.memory_space<hbm>> -> memref<8x1024xf32, #tpu.memory_space<hbm>>
        %dma_wait3A_78 = arith.constant 0 : i32
        %dma_wait3A_79 = tpu.memref_slice %arg4[%mul3A_2, %dma_wait3A_78] : memref<1024x1024xf32, #tpu.memory_space<hbm>> -> memref<8x1024xf32, #tpu.memory_space<hbm>>
        tpu.wait_dma2 semaphore(%arg12 : memref<!tpu.dma_semaphore, #tpu.memory_space<semaphore_mem>>) src(%arg8 : memref<8x1024xf32, #tpu.memory_space<vmem>>) dst(%dma_wait3A_79 : memref<8x1024xf32, #tpu.memory_space<hbm>>)
      } else {
      }
      %parallel_loop3A = arith.constant 0 : i32
      %parallel_loop3A_39 = arith.constant 128 : i32
      %parallel_loop3A_40 = arith.constant 1 : i32
      scf.for %parallel_loop3A_76 = %parallel_loop3A to %parallel_loop3A_39 step %parallel_loop3A_40  : i32 {
        %parallel_loop3A_77 = arith.constant 4 : i32
        %parallel_loop3A_78 = arith.shrsi %parallel_loop3A_76, %parallel_loop3A_77 : i32
        %parallel_loop3A_79 = arith.constant 15 : i32
        %parallel_loop3A_80 = arith.andi %parallel_loop3A_76, %parallel_loop3A_79 : i32
        %parallel_loop3A_81 = arith.constant 64 : i32
        %parallel_loop3A_82 = arith.muli %parallel_loop3A_80, %parallel_loop3A_81 : i32
        %parallel_loop3A_83 = arith.constant 0 : i32
        %parallel_loop3A_84 = arith.addi %parallel_loop3A_82, %parallel_loop3A_83 : i32
        %parallel_loop3A_85 = arith.constant 4 : i32
        %parallel_loop3A_86 = arith.muli %parallel_loop3A_85, %parallel_loop3A_78 : i32
        %parallel_loop3A_87 = arith.constant 0 : i32
        %parallel_loop3A_88 = arith.addi %parallel_loop3A_86, %parallel_loop3A_87 : i32
        %parallel_loop3A_89 = arith.index_cast %parallel_loop3A_88 : i32 to index
        %parallel_loop3A_90 = arith.index_cast %parallel_loop3A_84 : i32 to index
        %parallel_loop3A_91 = tpu.vector_load %arg6[%parallel_loop3A_89, %parallel_loop3A_90] {strides = array<i32>} : memref<32x1024xf32, #tpu.memory_space<vmem>>, vector<1x16xf32>,
        %parallel_loop3A_92 = vector.shape_cast %parallel_loop3A_91 : vector<1x16xf32> to vector<16xf32>
        %parallel_loop3A_93 = arith.constant 4 : i32
        %parallel_loop3A_94 = arith.muli %parallel_loop3A_93, %parallel_loop3A_78 : i32
        %parallel_loop3A_95 = arith.constant 1 : i32
        %parallel_loop3A_96 = arith.addi %parallel_loop3A_94, %parallel_loop3A_95 : i32
        %parallel_loop3A_97 = arith.index_cast %parallel_loop3A_96 : i32 to index
        %parallel_loop3A_98 = arith.index_cast %parallel_loop3A_84 : i32 to index
        %parallel_loop3A_99 = tpu.vector_load %arg6[%parallel_loop3A_97, %parallel_loop3A_98] {strides = array<i32>} : memref<32x1024xf32, #tpu.memory_space<vmem>>, vector<1x16xf32>,
        %parallel_loop3A_100 = vector.shape_cast %parallel_loop3A_99 : vector<1x16xf32> to vector<16xf32>
        %parallel_loop3A_101 = arith.addf %parallel_loop3A_92, %parallel_loop3A_100 : vector<16xf32>
        %parallel_loop3A_102 = arith.constant 4 : i32
        %parallel_loop3A_103 = arith.muli %parallel_loop3A_102, %parallel_loop3A_78 : i32
        %parallel_loop3A_104 = arith.constant 2 : i32
        %parallel_loop3A_105 = arith.addi %parallel_loop3A_103, %parallel_loop3A_104 : i32
        %parallel_loop3A_106 = arith.index_cast %parallel_loop3A_105 : i32 to index
        %parallel_loop3A_107 = arith.index_cast %parallel_loop3A_84 : i32 to index
        %parallel_loop3A_108 = tpu.vector_load %arg6[%parallel_loop3A_106, %parallel_loop3A_107] {strides = array<i32>} : memref<32x1024xf32, #tpu.memory_space<vmem>>, vector<1x16xf32>,
        %parallel_loop3A_109 = vector.shape_cast %parallel_loop3A_108 : vector<1x16xf32> to vector<16xf32>
        %parallel_loop3A_110 = arith.constant 4 : i32
        %parallel_loop3A_111 = arith.muli %parallel_loop3A_110, %parallel_loop3A_78 : i32
        %parallel_loop3A_112 = arith.constant 3 : i32
        %parallel_loop3A_113 = arith.addi %parallel_loop3A_111, %parallel_loop3A_112 : i32
        %parallel_loop3A_114 = arith.index_cast %parallel_loop3A_113 : i32 to index
        %parallel_loop3A_115 = arith.index_cast %parallel_loop3A_84 : i32 to index
        %parallel_loop3A_116 = tpu.vector_load %arg6[%parallel_loop3A_114, %parallel_loop3A_115] {strides = array<i32>} : memref<32x1024xf32, #tpu.memory_space<vmem>>, vector<1x16xf32>,
        %parallel_loop3A_117 = vector.shape_cast %parallel_loop3A_116 : vector<1x16xf32> to vector<16xf32>
        %parallel_loop3A_118 = arith.addf %parallel_loop3A_109, %parallel_loop3A_117 : vector<16xf32>
        %parallel_loop3A_119 = arith.addf %parallel_loop3A_101, %parallel_loop3A_118 : vector<16xf32>
        %parallel_loop3A_120 = arith.index_cast %parallel_loop3A_78 : i32 to index
        %parallel_loop3A_121 = arith.index_cast %parallel_loop3A_84 : i32 to index
        %parallel_loop3A_122 = tpu.vector_load %arg8[%parallel_loop3A_120, %parallel_loop3A_121] {strides = array<i32>} : memref<8x1024xf32, #tpu.memory_space<vmem>>, vector<1x16xf32>,
        %parallel_loop3A_123 = vector.shape_cast %parallel_loop3A_122 : vector<1x16xf32> to vector<16xf32>
        %parallel_loop3A_124 = vector.shape_cast %parallel_loop3A_119 : vector<16xf32> to vector<1x16xf32>
        tpu.vector_store %arg8[%parallel_loop3A_120, %parallel_loop3A_121], %parallel_loop3A_124 {strides = array<i32>} : memref<8x1024xf32, #tpu.memory_space<vmem>>, vector<1x16xf32>,
        %parallel_loop3A_125 = arith.constant 64 : i32
        %parallel_loop3A_126 = arith.muli %parallel_loop3A_80, %parallel_loop3A_125 : i32
        %parallel_loop3A_127 = arith.constant 16 : i32
        %parallel_loop3A_128 = arith.addi %parallel_loop3A_126, %parallel_loop3A_127 : i32
        %parallel_loop3A_129 = arith.constant 4 : i32
        %parallel_loop3A_130 = arith.muli %parallel_loop3A_129, %parallel_loop3A_78 : i32
        %parallel_loop3A_131 = arith.constant 0 : i32
        %parallel_loop3A_132 = arith.addi %parallel_loop3A_130, %parallel_loop3A_131 : i32
        %parallel_loop3A_133 = arith.index_cast %parallel_loop3A_132 : i32 to index
        %parallel_loop3A_134 = arith.index_cast %parallel_loop3A_128 : i32 to index
        %parallel_loop3A_135 = tpu.vector_load %arg6[%parallel_loop3A_133, %parallel_loop3A_134] {strides = array<i32>} : memref<32x1024xf32, #tpu.memory_space<vmem>>, vector<1x16xf32>,
        %parallel_loop3A_136 = vector.shape_cast %parallel_loop3A_135 : vector<1x16xf32> to vector<16xf32>
        %parallel_loop3A_137 = arith.constant 4 : i32
        %parallel_loop3A_138 = arith.muli %parallel_loop3A_137, %parallel_loop3A_78 : i32
        %parallel_loop3A_139 = arith.constant 1 : i32
        %parallel_loop3A_140 = arith.addi %parallel_loop3A_138, %parallel_loop3A_139 : i32
        %parallel_loop3A_141 = arith.index_cast %parallel_loop3A_140 : i32 to index
        %parallel_loop3A_142 = arith.index_cast %parallel_loop3A_128 : i32 to index
        %parallel_loop3A_143 = tpu.vector_load %arg6[%parallel_loop3A_141, %parallel_loop3A_142] {strides = array<i32>} : memref<32x1024xf32, #tpu.memory_space<vmem>>, vector<1x16xf32>,
        %parallel_loop3A_144 = vector.shape_cast %parallel_loop3A_143 : vector<1x16xf32> to vector<16xf32>
        %parallel_loop3A_145 = arith.addf %parallel_loop3A_136, %parallel_loop3A_144 : vector<16xf32>
        %parallel_loop3A_146 = arith.constant 4 : i32
        %parallel_loop3A_147 = arith.muli %parallel_loop3A_146, %parallel_loop3A_78 : i32
        %parallel_loop3A_148 = arith.constant 2 : i32
        %parallel_loop3A_149 = arith.addi %parallel_loop3A_147, %parallel_loop3A_148 : i32
        %parallel_loop3A_150 = arith.index_cast %parallel_loop3A_149 : i32 to index
        %parallel_loop3A_151 = arith.index_cast %parallel_loop3A_128 : i32 to index
        %parallel_loop3A_152 = tpu.vector_load %arg6[%parallel_loop3A_150, %parallel_loop3A_151] {strides = array<i32>} : memref<32x1024xf32, #tpu.memory_space<vmem>>, vector<1x16xf32>,
        %parallel_loop3A_153 = vector.shape_cast %parallel_loop3A_152 : vector<1x16xf32> to vector<16xf32>
        %parallel_loop3A_154 = arith.constant 4 : i32
        %parallel_loop3A_155 = arith.muli %parallel_loop3A_154, %parallel_loop3A_78 : i32
        %parallel_loop3A_156 = arith.constant 3 : i32
        %parallel_loop3A_157 = arith.addi %parallel_loop3A_155, %parallel_loop3A_156 : i32
        %parallel_loop3A_158 = arith.index_cast %parallel_loop3A_157 : i32 to index
        %parallel_loop3A_159 = arith.index_cast %parallel_loop3A_128 : i32 to index
        %parallel_loop3A_160 = tpu.vector_load %arg6[%parallel_loop3A_158, %parallel_loop3A_159] {strides = array<i32>} : memref<32x1024xf32, #tpu.memory_space<vmem>>, vector<1x16xf32>,
        %parallel_loop3A_161 = vector.shape_cast %parallel_loop3A_160 : vector<1x16xf32> to vector<16xf32>
        %parallel_loop3A_162 = arith.addf %parallel_loop3A_153, %parallel_loop3A_161 : vector<16xf32>
        %parallel_loop3A_163 = arith.addf %parallel_loop3A_145, %parallel_loop3A_162 : vector<16xf32>
        %parallel_loop3A_164 = arith.index_cast %parallel_loop3A_78 : i32 to index
        %parallel_loop3A_165 = arith.index_cast %parallel_loop3A_128 : i32 to index
        %parallel_loop3A_166 = tpu.vector_load %arg8[%parallel_loop3A_164, %parallel_loop3A_165] {strides = array<i32>} : memref<8x1024xf32, #tpu.memory_space<vmem>>, vector<1x16xf32>,
        %parallel_loop3A_167 = vector.shape_cast %parallel_loop3A_166 : vector<1x16xf32> to vector<16xf32>
        %parallel_loop3A_168 = vector.shape_cast %parallel_loop3A_163 : vector<16xf32> to vector<1x16xf32>
        tpu.vector_store %arg8[%parallel_loop3A_164, %parallel_loop3A_165], %parallel_loop3A_168 {strides = array<i32>} : memref<8x1024xf32, #tpu.memory_space<vmem>>, vector<1x16xf32>,
        %parallel_loop3A_169 = arith.constant 64 : i32
        %parallel_loop3A_170 = arith.muli %parallel_loop3A_80, %parallel_loop3A_169 : i32
        %parallel_loop3A_171 = arith.constant 32 : i32
        %parallel_loop3A_172 = arith.addi %parallel_loop3A_170, %parallel_loop3A_171 : i32
        %parallel_loop3A_173 = arith.constant 4 : i32
        %parallel_loop3A_174 = arith.muli %parallel_loop3A_173, %parallel_loop3A_78 : i32
        %parallel_loop3A_175 = arith.constant 0 : i32
        %parallel_loop3A_176 = arith.addi %parallel_loop3A_174, %parallel_loop3A_175 : i32
        %parallel_loop3A_177 = arith.index_cast %parallel_loop3A_176 : i32 to index
        %parallel_loop3A_178 = arith.index_cast %parallel_loop3A_172 : i32 to index
        %parallel_loop3A_179 = tpu.vector_load %arg6[%parallel_loop3A_177, %parallel_loop3A_178] {strides = array<i32>} : memref<32x1024xf32, #tpu.memory_space<vmem>>, vector<1x16xf32>,
        %parallel_loop3A_180 = vector.shape_cast %parallel_loop3A_179 : vector<1x16xf32> to vector<16xf32>
        %parallel_loop3A_181 = arith.constant 4 : i32
        %parallel_loop3A_182 = arith.muli %parallel_loop3A_181, %parallel_loop3A_78 : i32
        %parallel_loop3A_183 = arith.constant 1 : i32
        %parallel_loop3A_184 = arith.addi %parallel_loop3A_182, %parallel_loop3A_183 : i32
        %parallel_loop3A_185 = arith.index_cast %parallel_loop3A_184 : i32 to index
        %parallel_loop3A_186 = arith.index_cast %parallel_loop3A_172 : i32 to index
        %parallel_loop3A_187 = tpu.vector_load %arg6[%parallel_loop3A_185, %parallel_loop3A_186] {strides = array<i32>} : memref<32x1024xf32, #tpu.memory_space<vmem>>, vector<1x16xf32>,
        %parallel_loop3A_188 = vector.shape_cast %parallel_loop3A_187 : vector<1x16xf32> to vector<16xf32>
        %parallel_loop3A_189 = arith.addf %parallel_loop3A_180, %parallel_loop3A_188 : vector<16xf32>
        %parallel_loop3A_190 = arith.constant 4 : i32
        %parallel_loop3A_191 = arith.muli %parallel_loop3A_190, %parallel_loop3A_78 : i32
        %parallel_loop3A_192 = arith.constant 2 : i32
        %parallel_loop3A_193 = arith.addi %parallel_loop3A_191, %parallel_loop3A_192 : i32
        %parallel_loop3A_194 = arith.index_cast %parallel_loop3A_193 : i32 to index
        %parallel_loop3A_195 = arith.index_cast %parallel_loop3A_172 : i32 to index
        %parallel_loop3A_196 = tpu.vector_load %arg6[%parallel_loop3A_194, %parallel_loop3A_195] {strides = array<i32>} : memref<32x1024xf32, #tpu.memory_space<vmem>>, vector<1x16xf32>,
        %parallel_loop3A_197 = vector.shape_cast %parallel_loop3A_196 : vector<1x16xf32> to vector<16xf32>
        %parallel_loop3A_198 = arith.constant 4 : i32
        %parallel_loop3A_199 = arith.muli %parallel_loop3A_198, %parallel_loop3A_78 : i32
        %parallel_loop3A_200 = arith.constant 3 : i32
        %parallel_loop3A_201 = arith.addi %parallel_loop3A_199, %parallel_loop3A_200 : i32
        %parallel_loop3A_202 = arith.index_cast %parallel_loop3A_201 : i32 to index
        %parallel_loop3A_203 = arith.index_cast %parallel_loop3A_172 : i32 to index
        %parallel_loop3A_204 = tpu.vector_load %arg6[%parallel_loop3A_202, %parallel_loop3A_203] {strides = array<i32>} : memref<32x1024xf32, #tpu.memory_space<vmem>>, vector<1x16xf32>,
        %parallel_loop3A_205 = vector.shape_cast %parallel_loop3A_204 : vector<1x16xf32> to vector<16xf32>
        %parallel_loop3A_206 = arith.addf %parallel_loop3A_197, %parallel_loop3A_205 : vector<16xf32>
        %parallel_loop3A_207 = arith.addf %parallel_loop3A_189, %parallel_loop3A_206 : vector<16xf32>
        %parallel_loop3A_208 = arith.index_cast %parallel_loop3A_78 : i32 to index
        %parallel_loop3A_209 = arith.index_cast %parallel_loop3A_172 : i32 to index
        %parallel_loop3A_210 = tpu.vector_load %arg8[%parallel_loop3A_208, %parallel_loop3A_209] {strides = array<i32>} : memref<8x1024xf32, #tpu.memory_space<vmem>>, vector<1x16xf32>,
        %parallel_loop3A_211 = vector.shape_cast %parallel_loop3A_210 : vector<1x16xf32> to vector<16xf32>
        %parallel_loop3A_212 = vector.shape_cast %parallel_loop3A_207 : vector<16xf32> to vector<1x16xf32>
        tpu.vector_store %arg8[%parallel_loop3A_208, %parallel_loop3A_209], %parallel_loop3A_212 {strides = array<i32>} : memref<8x1024xf32, #tpu.memory_space<vmem>>, vector<1x16xf32>,
        %parallel_loop3A_213 = arith.constant 64 : i32
        %parallel_loop3A_214 = arith.muli %parallel_loop3A_80, %parallel_loop3A_213 : i32
        %parallel_loop3A_215 = arith.constant 48 : i32
        %parallel_loop3A_216 = arith.addi %parallel_loop3A_214, %parallel_loop3A_215 : i32
        %parallel_loop3A_217 = arith.constant 4 : i32
        %parallel_loop3A_218 = arith.muli %parallel_loop3A_217, %parallel_loop3A_78 : i32
        %parallel_loop3A_219 = arith.constant 0 : i32
        %parallel_loop3A_220 = arith.addi %parallel_loop3A_218, %parallel_loop3A_219 : i32
        %parallel_loop3A_221 = arith.index_cast %parallel_loop3A_220 : i32 to index
        %parallel_loop3A_222 = arith.index_cast %parallel_loop3A_216 : i32 to index
        %parallel_loop3A_223 = tpu.vector_load %arg6[%parallel_loop3A_221, %parallel_loop3A_222] {strides = array<i32>} : memref<32x1024xf32, #tpu.memory_space<vmem>>, vector<1x16xf32>,
        %parallel_loop3A_224 = vector.shape_cast %parallel_loop3A_223 : vector<1x16xf32> to vector<16xf32>
        %parallel_loop3A_225 = arith.constant 4 : i32
        %parallel_loop3A_226 = arith.muli %parallel_loop3A_225, %parallel_loop3A_78 : i32
        %parallel_loop3A_227 = arith.constant 1 : i32
        %parallel_loop3A_228 = arith.addi %parallel_loop3A_226, %parallel_loop3A_227 : i32
        %parallel_loop3A_229 = arith.index_cast %parallel_loop3A_228 : i32 to index
        %parallel_loop3A_230 = arith.index_cast %parallel_loop3A_216 : i32 to index
        %parallel_loop3A_231 = tpu.vector_load %arg6[%parallel_loop3A_229, %parallel_loop3A_230] {strides = array<i32>} : memref<32x1024xf32, #tpu.memory_space<vmem>>, vector<1x16xf32>,
        %parallel_loop3A_232 = vector.shape_cast %parallel_loop3A_231 : vector<1x16xf32> to vector<16xf32>
        %parallel_loop3A_233 = arith.addf %parallel_loop3A_224, %parallel_loop3A_232 : vector<16xf32>
        %parallel_loop3A_234 = arith.constant 4 : i32
        %parallel_loop3A_235 = arith.muli %parallel_loop3A_234, %parallel_loop3A_78 : i32
        %parallel_loop3A_236 = arith.constant 2 : i32
        %parallel_loop3A_237 = arith.addi %parallel_loop3A_235, %parallel_loop3A_236 : i32
        %parallel_loop3A_238 = arith.index_cast %parallel_loop3A_237 : i32 to index
        %parallel_loop3A_239 = arith.index_cast %parallel_loop3A_216 : i32 to index
        %parallel_loop3A_240 = tpu.vector_load %arg6[%parallel_loop3A_238, %parallel_loop3A_239] {strides = array<i32>} : memref<32x1024xf32, #tpu.memory_space<vmem>>, vector<1x16xf32>,
        %parallel_loop3A_241 = vector.shape_cast %parallel_loop3A_240 : vector<1x16xf32> to vector<16xf32>
        %parallel_loop3A_242 = arith.constant 4 : i32
        %parallel_loop3A_243 = arith.muli %parallel_loop3A_242, %parallel_loop3A_78 : i32
        %parallel_loop3A_244 = arith.constant 3 : i32
        %parallel_loop3A_245 = arith.addi %parallel_loop3A_243, %parallel_loop3A_244 : i32
        %parallel_loop3A_246 = arith.index_cast %parallel_loop3A_245 : i32 to index
        %parallel_loop3A_247 = arith.index_cast %parallel_loop3A_216 : i32 to index
        %parallel_loop3A_248 = tpu.vector_load %arg6[%parallel_loop3A_246, %parallel_loop3A_247] {strides = array<i32>} : memref<32x1024xf32, #tpu.memory_space<vmem>>, vector<1x16xf32>,
        %parallel_loop3A_249 = vector.shape_cast %parallel_loop3A_248 : vector<1x16xf32> to vector<16xf32>
        %parallel_loop3A_250 = arith.addf %parallel_loop3A_241, %parallel_loop3A_249 : vector<16xf32>
        %parallel_loop3A_251 = arith.addf %parallel_loop3A_233, %parallel_loop3A_250 : vector<16xf32>
        %parallel_loop3A_252 = arith.index_cast %parallel_loop3A_78 : i32 to index
        %parallel_loop3A_253 = arith.index_cast %parallel_loop3A_216 : i32 to index
        %parallel_loop3A_254 = tpu.vector_load %arg8[%parallel_loop3A_252, %parallel_loop3A_253] {strides = array<i32>} : memref<8x1024xf32, #tpu.memory_space<vmem>>, vector<1x16xf32>,
        %parallel_loop3A_255 = vector.shape_cast %parallel_loop3A_254 : vector<1x16xf32> to vector<16xf32>
        %parallel_loop3A_256 = vector.shape_cast %parallel_loop3A_251 : vector<16xf32> to vector<1x16xf32>
        tpu.vector_store %arg8[%parallel_loop3A_252, %parallel_loop3A_253], %parallel_loop3A_256 {strides = array<i32>} : memref<8x1024xf32, #tpu.memory_space<vmem>>, vector<1x16xf32>,
      } {sc.loop_unroll_factor = 4 : i64, sc.parallel_access}
      %mul3A_41 = arith.constant 8 : i32
      %mul3A_42 = arith.muli %mul3A_23, %mul3A_41 : i32
      %add3A_43 = arith.addi %mul3A_2, %mul3A_42 : i32
      %dma_start3A_44 = arith.constant 0 : i32
      %dma_start3A_45 = tpu.memref_slice %arg4[%add3A_43, %dma_start3A_44] : memref<1024x1024xf32, #tpu.memory_space<hbm>> -> memref<8x1024xf32, #tpu.memory_space<hbm>>
      %dma_start3A_46 = arith.constant 0 : i32
      %dma_start3A_47 = tpu.memref_slice %arg4[%add3A_43, %dma_start3A_46] : memref<1024x1024xf32, #tpu.memory_space<hbm>> -> memref<8x1024xf32, #tpu.memory_space<hbm>>
      tpu.enqueue_dma source(%arg8 : memref<8x1024xf32, #tpu.memory_space<vmem>>) target(%dma_start3A_47 : memref<8x1024xf32, #tpu.memory_space<hbm>>) target_semaphore(%arg12 : memref<!tpu.dma_semaphore, #tpu.memory_space<semaphore_mem>>)
      %add3A_48 = arith.constant 1 : i32
      %add3A_49 = arith.addi %scan3A_21, %add3A_48 : i32
      %lt3A = arith.constant 2 : i32
      %lt3A_50 = arith.cmpi slt, %add3A_49, %lt3A : i32
      %convert_element_type3A_51 = arith.extui %lt3A_50 : i1 to i32
      %cond3A_52 = arith.constant 0 : i32
      %cond3A_53 = arith.cmpi ne, %convert_element_type3A_51, %cond3A_52 : i32
      scf.if %cond3A_53 {
        %add3A_76 = arith.constant 2 : i32
        %add3A_77 = arith.addi %mul3A_23, %add3A_76 : i32
        %mul3A_78 = arith.constant 32 : i32
        %mul3A_79 = arith.muli %add3A_77, %mul3A_78 : i32
        %dma_start3A_80 = tpu.memref_slice %arg5[%mul3A_79] : memref<128xi32, #tpu.memory_space<vmem>> -> memref<32xi32, #tpu.memory_space<vmem>>
        %dma_start3A_81 = arith.constant 0 : i32
        %dma_start3A_82 = arith.constant 0 : i32
        %dma_start3A_83 = tpu.memref_slice %arg2[%dma_start3A_81, %dma_start3A_82] : memref<1024x1024xf32, #tpu.memory_space<hbm>> -> memref<1024x1024xf32, #tpu.memory_space<hbm>>
        tpu.enqueue_indirect_dma source(%dma_start3A_83 : memref<1024x1024xf32, #tpu.memory_space<hbm>>) target(%arg6 : memref<32x1024xf32, #tpu.memory_space<vmem>>) offsets(%dma_start3A_80 : memref<32xi32, #tpu.memory_space<vmem>>) semaphore(%arg10 : memref<!tpu.dma_semaphore, #tpu.memory_space<semaphore_mem>>)
      } else {
      }
      %dma_wait3A_54 = arith.constant 0 : i32
      %dma_wait3A_55 = tpu.memref_slice %arg5[%dma_wait3A_54] : memref<128xi32, #tpu.memory_space<vmem>> -> memref<32xi32, #tpu.memory_space<vmem>>
      %dma_wait3A_56 = arith.constant 0 : i32
      %dma_wait3A_57 = arith.constant 0 : i32
      %dma_wait3A_58 = tpu.memref_slice %arg2[%dma_wait3A_56, %dma_wait3A_57] : memref<1024x1024xf32, #tpu.memory_space<hbm>> -> memref<1024x1024xf32, #tpu.memory_space<hbm>>
      tpu.wait_indirect_dma semaphore(%arg11 : memref<!tpu.dma_semaphore, #tpu.memory_space<semaphore_mem>>) src(%dma_wait3A_58 : memref<1024x1024xf32, #tpu.memory_space<hbm>>) dst(%arg7 : memref<32x1024xf32, #tpu.memory_space<vmem>>)
      %gt3A_59 = arith.constant 0 : i32
      %gt3A_60 = arith.cmpi sgt, %scan3A_21, %gt3A_59 : i32
      %convert_element_type3A_61 = arith.extui %gt3A_60 : i1 to i32
      %cond3A_62 = arith.constant 0 : i32
      %cond3A_63 = arith.cmpi ne, %convert_element_type3A_61, %cond3A_62 : i32
      scf.if %cond3A_63 {
        %dma_wait3A_76 = arith.constant 0 : i32
        %dma_wait3A_77 = tpu.memref_slice %arg4[%mul3A_2, %dma_wait3A_76] : memref<1024x1024xf32, #tpu.memory_space<hbm>> -> memref<8x1024xf32, #tpu.memory_space<hbm>>
        %dma_wait3A_78 = arith.constant 0 : i32
        %dma_wait3A_79 = tpu.memref_slice %arg4[%mul3A_2, %dma_wait3A_78] : memref<1024x1024xf32, #tpu.memory_space<hbm>> -> memref<8x1024xf32, #tpu.memory_space<hbm>>
        tpu.wait_dma2 semaphore(%arg13 : memref<!tpu.dma_semaphore, #tpu.memory_space<semaphore_mem>>) src(%arg9 : memref<8x1024xf32, #tpu.memory_space<vmem>>) dst(%dma_wait3A_79 : memref<8x1024xf32, #tpu.memory_space<hbm>>)
      } else {
      }
      %parallel_loop3A_64 = arith.constant 0 : i32
      %parallel_loop3A_65 = arith.constant 128 : i32
      %parallel_loop3A_66 = arith.constant 1 : i32
      scf.for %parallel_loop3A_76 = %parallel_loop3A_64 to %parallel_loop3A_65 step %parallel_loop3A_66  : i32 {
        %parallel_loop3A_77 = arith.constant 4 : i32
        %parallel_loop3A_78 = arith.shrsi %parallel_loop3A_76, %parallel_loop3A_77 : i32
        %parallel_loop3A_79 = arith.constant 15 : i32
        %parallel_loop3A_80 = arith.andi %parallel_loop3A_76, %parallel_loop3A_79 : i32
        %parallel_loop3A_81 = arith.constant 64 : i32
        %parallel_loop3A_82 = arith.muli %parallel_loop3A_80, %parallel_loop3A_81 : i32
        %parallel_loop3A_83 = arith.constant 0 : i32
        %parallel_loop3A_84 = arith.addi %parallel_loop3A_82, %parallel_loop3A_83 : i32
        %parallel_loop3A_85 = arith.constant 4 : i32
        %parallel_loop3A_86 = arith.muli %parallel_loop3A_85, %parallel_loop3A_78 : i32
        %parallel_loop3A_87 = arith.constant 0 : i32
        %parallel_loop3A_88 = arith.addi %parallel_loop3A_86, %parallel_loop3A_87 : i32
        %parallel_loop3A_89 = arith.index_cast %parallel_loop3A_88 : i32 to index
        %parallel_loop3A_90 = arith.index_cast %parallel_loop3A_84 : i32 to index
        %parallel_loop3A_91 = tpu.vector_load %arg7[%parallel_loop3A_89, %parallel_loop3A_90] {strides = array<i32>} : memref<32x1024xf32, #tpu.memory_space<vmem>>, vector<1x16xf32>,
        %parallel_loop3A_92 = vector.shape_cast %parallel_loop3A_91 : vector<1x16xf32> to vector<16xf32>
        %parallel_loop3A_93 = arith.constant 4 : i32
        %parallel_loop3A_94 = arith.muli %parallel_loop3A_93, %parallel_loop3A_78 : i32
        %parallel_loop3A_95 = arith.constant 1 : i32
        %parallel_loop3A_96 = arith.addi %parallel_loop3A_94, %parallel_loop3A_95 : i32
        %parallel_loop3A_97 = arith.index_cast %parallel_loop3A_96 : i32 to index
        %parallel_loop3A_98 = arith.index_cast %parallel_loop3A_84 : i32 to index
        %parallel_loop3A_99 = tpu.vector_load %arg7[%parallel_loop3A_97, %parallel_loop3A_98] {strides = array<i32>} : memref<32x1024xf32, #tpu.memory_space<vmem>>, vector<1x16xf32>,
        %parallel_loop3A_100 = vector.shape_cast %parallel_loop3A_99 : vector<1x16xf32> to vector<16xf32>
        %parallel_loop3A_101 = arith.addf %parallel_loop3A_92, %parallel_loop3A_100 : vector<16xf32>
        %parallel_loop3A_102 = arith.constant 4 : i32
        %parallel_loop3A_103 = arith.muli %parallel_loop3A_102, %parallel_loop3A_78 : i32
        %parallel_loop3A_104 = arith.constant 2 : i32
        %parallel_loop3A_105 = arith.addi %parallel_loop3A_103, %parallel_loop3A_104 : i32
        %parallel_loop3A_106 = arith.index_cast %parallel_loop3A_105 : i32 to index
        %parallel_loop3A_107 = arith.index_cast %parallel_loop3A_84 : i32 to index
        %parallel_loop3A_108 = tpu.vector_load %arg7[%parallel_loop3A_106, %parallel_loop3A_107] {strides = array<i32>} : memref<32x1024xf32, #tpu.memory_space<vmem>>, vector<1x16xf32>,
        %parallel_loop3A_109 = vector.shape_cast %parallel_loop3A_108 : vector<1x16xf32> to vector<16xf32>
        %parallel_loop3A_110 = arith.constant 4 : i32
        %parallel_loop3A_111 = arith.muli %parallel_loop3A_110, %parallel_loop3A_78 : i32
        %parallel_loop3A_112 = arith.constant 3 : i32
        %parallel_loop3A_113 = arith.addi %parallel_loop3A_111, %parallel_loop3A_112 : i32
        %parallel_loop3A_114 = arith.index_cast %parallel_loop3A_113 : i32 to index
        %parallel_loop3A_115 = arith.index_cast %parallel_loop3A_84 : i32 to index
        %parallel_loop3A_116 = tpu.vector_load %arg7[%parallel_loop3A_114, %parallel_loop3A_115] {strides = array<i32>} : memref<32x1024xf32, #tpu.memory_space<vmem>>, vector<1x16xf32>,
        %parallel_loop3A_117 = vector.shape_cast %parallel_loop3A_116 : vector<1x16xf32> to vector<16xf32>
        %parallel_loop3A_118 = arith.addf %parallel_loop3A_109, %parallel_loop3A_117 : vector<16xf32>
        %parallel_loop3A_119 = arith.addf %parallel_loop3A_101, %parallel_loop3A_118 : vector<16xf32>
        %parallel_loop3A_120 = arith.index_cast %parallel_loop3A_78 : i32 to index
        %parallel_loop3A_121 = arith.index_cast %parallel_loop3A_84 : i32 to index
        %parallel_loop3A_122 = tpu.vector_load %arg9[%parallel_loop3A_120, %parallel_loop3A_121] {strides = array<i32>} : memref<8x1024xf32, #tpu.memory_space<vmem>>, vector<1x16xf32>,
        %parallel_loop3A_123 = vector.shape_cast %parallel_loop3A_122 : vector<1x16xf32> to vector<16xf32>
        %parallel_loop3A_124 = vector.shape_cast %parallel_loop3A_119 : vector<16xf32> to vector<1x16xf32>
        tpu.vector_store %arg9[%parallel_loop3A_120, %parallel_loop3A_121], %parallel_loop3A_124 {strides = array<i32>} : memref<8x1024xf32, #tpu.memory_space<vmem>>, vector<1x16xf32>,
        %parallel_loop3A_125 = arith.constant 64 : i32
        %parallel_loop3A_126 = arith.muli %parallel_loop3A_80, %parallel_loop3A_125 : i32
        %parallel_loop3A_127 = arith.constant 16 : i32
        %parallel_loop3A_128 = arith.addi %parallel_loop3A_126, %parallel_loop3A_127 : i32
        %parallel_loop3A_129 = arith.constant 4 : i32
        %parallel_loop3A_130 = arith.muli %parallel_loop3A_129, %parallel_loop3A_78 : i32
        %parallel_loop3A_131 = arith.constant 0 : i32
        %parallel_loop3A_132 = arith.addi %parallel_loop3A_130, %parallel_loop3A_131 : i32
        %parallel_loop3A_133 = arith.index_cast %parallel_loop3A_132 : i32 to index
        %parallel_loop3A_134 = arith.index_cast %parallel_loop3A_128 : i32 to index
        %parallel_loop3A_135 = tpu.vector_load %arg7[%parallel_loop3A_133, %parallel_loop3A_134] {strides = array<i32>} : memref<32x1024xf32, #tpu.memory_space<vmem>>, vector<1x16xf32>,
        %parallel_loop3A_136 = vector.shape_cast %parallel_loop3A_135 : vector<1x16xf32> to vector<16xf32>
        %parallel_loop3A_137 = arith.constant 4 : i32
        %parallel_loop3A_138 = arith.muli %parallel_loop3A_137, %parallel_loop3A_78 : i32
        %parallel_loop3A_139 = arith.constant 1 : i32
        %parallel_loop3A_140 = arith.addi %parallel_loop3A_138, %parallel_loop3A_139 : i32
        %parallel_loop3A_141 = arith.index_cast %parallel_loop3A_140 : i32 to index
        %parallel_loop3A_142 = arith.index_cast %parallel_loop3A_128 : i32 to index
        %parallel_loop3A_143 = tpu.vector_load %arg7[%parallel_loop3A_141, %parallel_loop3A_142] {strides = array<i32>} : memref<32x1024xf32, #tpu.memory_space<vmem>>, vector<1x16xf32>,
        %parallel_loop3A_144 = vector.shape_cast %parallel_loop3A_143 : vector<1x16xf32> to vector<16xf32>
        %parallel_loop3A_145 = arith.addf %parallel_loop3A_136, %parallel_loop3A_144 : vector<16xf32>
        %parallel_loop3A_146 = arith.constant 4 : i32
        %parallel_loop3A_147 = arith.muli %parallel_loop3A_146, %parallel_loop3A_78 : i32
        %parallel_loop3A_148 = arith.constant 2 : i32
        %parallel_loop3A_149 = arith.addi %parallel_loop3A_147, %parallel_loop3A_148 : i32
        %parallel_loop3A_150 = arith.index_cast %parallel_loop3A_149 : i32 to index
        %parallel_loop3A_151 = arith.index_cast %parallel_loop3A_128 : i32 to index
        %parallel_loop3A_152 = tpu.vector_load %arg7[%parallel_loop3A_150, %parallel_loop3A_151] {strides = array<i32>} : memref<32x1024xf32, #tpu.memory_space<vmem>>, vector<1x16xf32>,
        %parallel_loop3A_153 = vector.shape_cast %parallel_loop3A_152 : vector<1x16xf32> to vector<16xf32>
        %parallel_loop3A_154 = arith.constant 4 : i32
        %parallel_loop3A_155 = arith.muli %parallel_loop3A_154, %parallel_loop3A_78 : i32
        %parallel_loop3A_156 = arith.constant 3 : i32
        %parallel_loop3A_157 = arith.addi %parallel_loop3A_155, %parallel_loop3A_156 : i32
        %parallel_loop3A_158 = arith.index_cast %parallel_loop3A_157 : i32 to index
        %parallel_loop3A_159 = arith.index_cast %parallel_loop3A_128 : i32 to index
        %parallel_loop3A_160 = tpu.vector_load %arg7[%parallel_loop3A_158, %parallel_loop3A_159] {strides = array<i32>} : memref<32x1024xf32, #tpu.memory_space<vmem>>, vector<1x16xf32>,
        %parallel_loop3A_161 = vector.shape_cast %parallel_loop3A_160 : vector<1x16xf32> to vector<16xf32>
        %parallel_loop3A_162 = arith.addf %parallel_loop3A_153, %parallel_loop3A_161 : vector<16xf32>
        %parallel_loop3A_163 = arith.addf %parallel_loop3A_145, %parallel_loop3A_162 : vector<16xf32>
        %parallel_loop3A_164 = arith.index_cast %parallel_loop3A_78 : i32 to index
        %parallel_loop3A_165 = arith.index_cast %parallel_loop3A_128 : i32 to index
        %parallel_loop3A_166 = tpu.vector_load %arg9[%parallel_loop3A_164, %parallel_loop3A_165] {strides = array<i32>} : memref<8x1024xf32, #tpu.memory_space<vmem>>, vector<1x16xf32>,
        %parallel_loop3A_167 = vector.shape_cast %parallel_loop3A_166 : vector<1x16xf32> to vector<16xf32>
        %parallel_loop3A_168 = vector.shape_cast %parallel_loop3A_163 : vector<16xf32> to vector<1x16xf32>
        tpu.vector_store %arg9[%parallel_loop3A_164, %parallel_loop3A_165], %parallel_loop3A_168 {strides = array<i32>} : memref<8x1024xf32, #tpu.memory_space<vmem>>, vector<1x16xf32>,
        %parallel_loop3A_169 = arith.constant 64 : i32
        %parallel_loop3A_170 = arith.muli %parallel_loop3A_80, %parallel_loop3A_169 : i32
        %parallel_loop3A_171 = arith.constant 32 : i32
        %parallel_loop3A_172 = arith.addi %parallel_loop3A_170, %parallel_loop3A_171 : i32
        %parallel_loop3A_173 = arith.constant 4 : i32
        %parallel_loop3A_174 = arith.muli %parallel_loop3A_173, %parallel_loop3A_78 : i32
        %parallel_loop3A_175 = arith.constant 0 : i32
        %parallel_loop3A_176 = arith.addi %parallel_loop3A_174, %parallel_loop3A_175 : i32
        %parallel_loop3A_177 = arith.index_cast %parallel_loop3A_176 : i32 to index
        %parallel_loop3A_178 = arith.index_cast %parallel_loop3A_172 : i32 to index
        %parallel_loop3A_179 = tpu.vector_load %arg7[%parallel_loop3A_177, %parallel_loop3A_178] {strides = array<i32>} : memref<32x1024xf32, #tpu.memory_space<vmem>>, vector<1x16xf32>,
        %parallel_loop3A_180 = vector.shape_cast %parallel_loop3A_179 : vector<1x16xf32> to vector<16xf32>
        %parallel_loop3A_181 = arith.constant 4 : i32
        %parallel_loop3A_182 = arith.muli %parallel_loop3A_181, %parallel_loop3A_78 : i32
        %parallel_loop3A_183 = arith.constant 1 : i32
        %parallel_loop3A_184 = arith.addi %parallel_loop3A_182, %parallel_loop3A_183 : i32
        %parallel_loop3A_185 = arith.index_cast %parallel_loop3A_184 : i32 to index
        %parallel_loop3A_186 = arith.index_cast %parallel_loop3A_172 : i32 to index
        %parallel_loop3A_187 = tpu.vector_load %arg7[%parallel_loop3A_185, %parallel_loop3A_186] {strides = array<i32>} : memref<32x1024xf32, #tpu.memory_space<vmem>>, vector<1x16xf32>,
        %parallel_loop3A_188 = vector.shape_cast %parallel_loop3A_187 : vector<1x16xf32> to vector<16xf32>
        %parallel_loop3A_189 = arith.addf %parallel_loop3A_180, %parallel_loop3A_188 : vector<16xf32>
        %parallel_loop3A_190 = arith.constant 4 : i32
        %parallel_loop3A_191 = arith.muli %parallel_loop3A_190, %parallel_loop3A_78 : i32
        %parallel_loop3A_192 = arith.constant 2 : i32
        %parallel_loop3A_193 = arith.addi %parallel_loop3A_191, %parallel_loop3A_192 : i32
        %parallel_loop3A_194 = arith.index_cast %parallel_loop3A_193 : i32 to index
        %parallel_loop3A_195 = arith.index_cast %parallel_loop3A_172 : i32 to index
        %parallel_loop3A_196 = tpu.vector_load %arg7[%parallel_loop3A_194, %parallel_loop3A_195] {strides = array<i32>} : memref<32x1024xf32, #tpu.memory_space<vmem>>, vector<1x16xf32>,
        %parallel_loop3A_197 = vector.shape_cast %parallel_loop3A_196 : vector<1x16xf32> to vector<16xf32>
        %parallel_loop3A_198 = arith.constant 4 : i32
        %parallel_loop3A_199 = arith.muli %parallel_loop3A_198, %parallel_loop3A_78 : i32
        %parallel_loop3A_200 = arith.constant 3 : i32
        %parallel_loop3A_201 = arith.addi %parallel_loop3A_199, %parallel_loop3A_200 : i32
        %parallel_loop3A_202 = arith.index_cast %parallel_loop3A_201 : i32 to index
        %parallel_loop3A_203 = arith.index_cast %parallel_loop3A_172 : i32 to index
        %parallel_loop3A_204 = tpu.vector_load %arg7[%parallel_loop3A_202, %parallel_loop3A_203] {strides = array<i32>} : memref<32x1024xf32, #tpu.memory_space<vmem>>, vector<1x16xf32>,
        %parallel_loop3A_205 = vector.shape_cast %parallel_loop3A_204 : vector<1x16xf32> to vector<16xf32>
        %parallel_loop3A_206 = arith.addf %parallel_loop3A_197, %parallel_loop3A_205 : vector<16xf32>
        %parallel_loop3A_207 = arith.addf %parallel_loop3A_189, %parallel_loop3A_206 : vector<16xf32>
        %parallel_loop3A_208 = arith.index_cast %parallel_loop3A_78 : i32 to index
        %parallel_loop3A_209 = arith.index_cast %parallel_loop3A_172 : i32 to index
        %parallel_loop3A_210 = tpu.vector_load %arg9[%parallel_loop3A_208, %parallel_loop3A_209] {strides = array<i32>} : memref<8x1024xf32, #tpu.memory_space<vmem>>, vector<1x16xf32>,
        %parallel_loop3A_211 = vector.shape_cast %parallel_loop3A_210 : vector<1x16xf32> to vector<16xf32>
        %parallel_loop3A_212 = vector.shape_cast %parallel_loop3A_207 : vector<16xf32> to vector<1x16xf32>
        tpu.vector_store %arg9[%parallel_loop3A_208, %parallel_loop3A_209], %parallel_loop3A_212 {strides = array<i32>} : memref<8x1024xf32, #tpu.memory_space<vmem>>, vector<1x16xf32>,
        %parallel_loop3A_213 = arith.constant 64 : i32
        %parallel_loop3A_214 = arith.muli %parallel_loop3A_80, %parallel_loop3A_213 : i32
        %parallel_loop3A_215 = arith.constant 48 : i32
        %parallel_loop3A_216 = arith.addi %parallel_loop3A_214, %parallel_loop3A_215 : i32
        %parallel_loop3A_217 = arith.constant 4 : i32
        %parallel_loop3A_218 = arith.muli %parallel_loop3A_217, %parallel_loop3A_78 : i32
        %parallel_loop3A_219 = arith.constant 0 : i32
        %parallel_loop3A_220 = arith.addi %parallel_loop3A_218, %parallel_loop3A_219 : i32
        %parallel_loop3A_221 = arith.index_cast %parallel_loop3A_220 : i32 to index
        %parallel_loop3A_222 = arith.index_cast %parallel_loop3A_216 : i32 to index
        %parallel_loop3A_223 = tpu.vector_load %arg7[%parallel_loop3A_221, %parallel_loop3A_222] {strides = array<i32>} : memref<32x1024xf32, #tpu.memory_space<vmem>>, vector<1x16xf32>,
        %parallel_loop3A_224 = vector.shape_cast %parallel_loop3A_223 : vector<1x16xf32> to vector<16xf32>
        %parallel_loop3A_225 = arith.constant 4 : i32
        %parallel_loop3A_226 = arith.muli %parallel_loop3A_225, %parallel_loop3A_78 : i32
        %parallel_loop3A_227 = arith.constant 1 : i32
        %parallel_loop3A_228 = arith.addi %parallel_loop3A_226, %parallel_loop3A_227 : i32
        %parallel_loop3A_229 = arith.index_cast %parallel_loop3A_228 : i32 to index
        %parallel_loop3A_230 = arith.index_cast %parallel_loop3A_216 : i32 to index
        %parallel_loop3A_231 = tpu.vector_load %arg7[%parallel_loop3A_229, %parallel_loop3A_230] {strides = array<i32>} : memref<32x1024xf32, #tpu.memory_space<vmem>>, vector<1x16xf32>,
        %parallel_loop3A_232 = vector.shape_cast %parallel_loop3A_231 : vector<1x16xf32> to vector<16xf32>
        %parallel_loop3A_233 = arith.addf %parallel_loop3A_224, %parallel_loop3A_232 : vector<16xf32>
        %parallel_loop3A_234 = arith.constant 4 : i32
        %parallel_loop3A_235 = arith.muli %parallel_loop3A_234, %parallel_loop3A_78 : i32
        %parallel_loop3A_236 = arith.constant 2 : i32
        %parallel_loop3A_237 = arith.addi %parallel_loop3A_235, %parallel_loop3A_236 : i32
        %parallel_loop3A_238 = arith.index_cast %parallel_loop3A_237 : i32 to index
        %parallel_loop3A_239 = arith.index_cast %parallel_loop3A_216 : i32 to index
        %parallel_loop3A_240 = tpu.vector_load %arg7[%parallel_loop3A_238, %parallel_loop3A_239] {strides = array<i32>} : memref<32x1024xf32, #tpu.memory_space<vmem>>, vector<1x16xf32>,
        %parallel_loop3A_241 = vector.shape_cast %parallel_loop3A_240 : vector<1x16xf32> to vector<16xf32>
        %parallel_loop3A_242 = arith.constant 4 : i32
        %parallel_loop3A_243 = arith.muli %parallel_loop3A_242, %parallel_loop3A_78 : i32
        %parallel_loop3A_244 = arith.constant 3 : i32
        %parallel_loop3A_245 = arith.addi %parallel_loop3A_243, %parallel_loop3A_244 : i32
        %parallel_loop3A_246 = arith.index_cast %parallel_loop3A_245 : i32 to index
        %parallel_loop3A_247 = arith.index_cast %parallel_loop3A_216 : i32 to index
        %parallel_loop3A_248 = tpu.vector_load %arg7[%parallel_loop3A_246, %parallel_loop3A_247] {strides = array<i32>} : memref<32x1024xf32, #tpu.memory_space<vmem>>, vector<1x16xf32>,
        %parallel_loop3A_249 = vector.shape_cast %parallel_loop3A_248 : vector<1x16xf32> to vector<16xf32>
        %parallel_loop3A_250 = arith.addf %parallel_loop3A_241, %parallel_loop3A_249 : vector<16xf32>
        %parallel_loop3A_251 = arith.addf %parallel_loop3A_233, %parallel_loop3A_250 : vector<16xf32>
        %parallel_loop3A_252 = arith.index_cast %parallel_loop3A_78 : i32 to index
        %parallel_loop3A_253 = arith.index_cast %parallel_loop3A_216 : i32 to index
        %parallel_loop3A_254 = tpu.vector_load %arg9[%parallel_loop3A_252, %parallel_loop3A_253] {strides = array<i32>} : memref<8x1024xf32, #tpu.memory_space<vmem>>, vector<1x16xf32>,
        %parallel_loop3A_255 = vector.shape_cast %parallel_loop3A_254 : vector<1x16xf32> to vector<16xf32>
        %parallel_loop3A_256 = vector.shape_cast %parallel_loop3A_251 : vector<16xf32> to vector<1x16xf32>
        tpu.vector_store %arg9[%parallel_loop3A_252, %parallel_loop3A_253], %parallel_loop3A_256 {strides = array<i32>} : memref<8x1024xf32, #tpu.memory_space<vmem>>, vector<1x16xf32>,
      } {sc.loop_unroll_factor = 4 : i64, sc.parallel_access}
      %add3A_67 = arith.constant 1 : i32
      %add3A_68 = arith.addi %mul3A_23, %add3A_67 : i32
      %mul3A_69 = arith.constant 8 : i32
      %mul3A_70 = arith.muli %add3A_68, %mul3A_69 : i32
      %add3A_71 = arith.addi %mul3A_2, %mul3A_70 : i32
      %dma_start3A_72 = arith.constant 0 : i32
      %dma_start3A_73 = tpu.memref_slice %arg4[%add3A_71, %dma_start3A_72] : memref<1024x1024xf32, #tpu.memory_space<hbm>> -> memref<8x1024xf32, #tpu.memory_space<hbm>>
      %dma_start3A_74 = arith.constant 0 : i32
      %dma_start3A_75 = tpu.memref_slice %arg4[%add3A_71, %dma_start3A_74] : memref<1024x1024xf32, #tpu.memory_space<hbm>> -> memref<8x1024xf32, #tpu.memory_space<hbm>>
      tpu.enqueue_dma source(%arg9 : memref<8x1024xf32, #tpu.memory_space<vmem>>) target(%dma_start3A_75 : memref<8x1024xf32, #tpu.memory_space<hbm>>) target_semaphore(%arg13 : memref<!tpu.dma_semaphore, #tpu.memory_space<semaphore_mem>>)
    }
    %scan3A_13 = arith.constant 2 : i32
    %dma_wait3A = arith.constant 0 : i32
    %dma_wait3A_14 = tpu.memref_slice %arg4[%mul3A_2, %dma_wait3A] : memref<1024x1024xf32, #tpu.memory_space<hbm>> -> memref<8x1024xf32, #tpu.memory_space<hbm>>
    %dma_wait3A_15 = arith.constant 0 : i32
    %dma_wait3A_16 = tpu.memref_slice %arg4[%mul3A_2, %dma_wait3A_15] : memref<1024x1024xf32, #tpu.memory_space<hbm>> -> memref<8x1024xf32, #tpu.memory_space<hbm>>
    tpu.wait_dma2 semaphore(%arg12 : memref<!tpu.dma_semaphore, #tpu.memory_space<semaphore_mem>>) src(%arg8 : memref<8x1024xf32, #tpu.memory_space<vmem>>) dst(%dma_wait3A_16 : memref<8x1024xf32, #tpu.memory_space<hbm>>)
    %dma_wait3A_17 = arith.constant 0 : i32
    %dma_wait3A_18 = tpu.memref_slice %arg4[%mul3A_2, %dma_wait3A_17] : memref<1024x1024xf32, #tpu.memory_space<hbm>> -> memref<8x1024xf32, #tpu.memory_space<hbm>>
    %dma_wait3A_19 = arith.constant 0 : i32
    %dma_wait3A_20 = tpu.memref_slice %arg4[%mul3A_2, %dma_wait3A_19] : memref<1024x1024xf32, #tpu.memory_space<hbm>> -> memref<8x1024xf32, #tpu.memory_space<hbm>>
    tpu.wait_dma2 semaphore(%arg13 : memref<!tpu.dma_semaphore, #tpu.memory_space<semaphore_mem>>) src(%arg9 : memref<8x1024xf32, #tpu.memory_space<vmem>>) dst(%dma_wait3A_20 : memref<8x1024xf32, #tpu.memory_space<hbm>>)
    return
  }
}

module attributes {stable_mosaic.version = 14 : i64} {
  func.func @_expand_onehot_body(%arg0: i32, %arg1: memref<256x4xi32, #tpu.memory_space<vmem>>, %arg2: memref<1024x1024xbf16, #tpu.memory_space<vmem>>, %arg3: memref<256x6xf32, #tpu.memory_space<vmem>>, %arg4: memref<6x1024xf32, #tpu.memory_space<vmem>>, %arg5: memref<10x8x1024xf32, #tpu.memory_space<vmem>>, %arg6: memref<6x1024xf32, #tpu.memory_space<vmem>>, %arg7: memref<256x8x1024xf32, #tpu.memory_space<vmem>>) attributes {dimension_semantics = [#tpu.dimension_semantics<arbitrary>], iteration_bounds = array<i64: 12>, scalar_prefetch = 0 : i64, scratch_operands = 0 : i64, tpu.core_type = #tpu.core_type<tc>, window_params = [{transform_indices = @transform_0, window_bounds = array<i64: 256, 4>}, {pipeline_mode = #tpu.pipeline_mode<synchronous>, transform_indices = @transform_1, window_bounds = array<i64: 1024, 1024>}, {transform_indices = @transform_2, window_bounds = array<i64: 256, 6>}, {pipeline_mode = #tpu.pipeline_mode<synchronous>, transform_indices = @transform_3, window_bounds = array<i64: 6, 1024>}, {pipeline_mode = #tpu.pipeline_mode<synchronous>, transform_indices = @transform_4, window_bounds = array<i64: 10, 8, 1024>}, {pipeline_mode = #tpu.pipeline_mode<synchronous>, transform_indices = @transform_5, window_bounds = array<i64: 6, 1024>}, {transform_indices = @transform_6, window_bounds = array<i64: 256, 8, 1024>}]} {
    %iota3A = tpu.iota {dimensions = array<i32: 2>} : vector<256x4x256xi32>
    %get3A = arith.constant 0 : index
    %get3A_0 = arith.constant 0 : index
    %get3A_1 = vector.load %arg1[%get3A, %get3A_0] : memref<256x4xi32, #tpu.memory_space<vmem>>, vector<256x4xi32>
    %broadcast_in_dim3A = vector.shape_cast %get3A_1 : vector<256x4xi32> to vector<256x4x1xi32>
    %eq3A = vector.broadcast %broadcast_in_dim3A : vector<256x4x1xi32> to vector<256x4x256xi32>
    %eq3A_2 = arith.cmpi eq, %iota3A, %eq3A : vector<256x4x256xi32>
    %convert_element_type3A = arith.extui %eq3A_2 : vector<256x4x256xi1> to vector<256x4x256xi32>
    %convert_element_type3A_3 = arith.sitofp %convert_element_type3A : vector<256x4x256xi32> to vector<256x4x256xf32>
    %convert_element_type3A_4 = arith.truncf %convert_element_type3A_3 : vector<256x4x256xf32> to vector<256x4x256xbf16>
    %reshape3A = vector.shape_cast %convert_element_type3A_4 : vector<256x4x256xbf16> to vector<256x1024xbf16>
    %get3A_5 = arith.constant 0 : index
    %get3A_6 = arith.constant 0 : index
    %get3A_7 = vector.load %arg2[%get3A_5, %get3A_6] : memref<1024x1024xbf16, #tpu.memory_space<vmem>>, vector<1024x1024xbf16>
    %dot_general3A = arith.constant dense<0.000000e+00> : vector<256x1024xf32>
    %dot_general3A_8 = tpu.matmul %reshape3A, %get3A_7, %dot_general3A {dimension_numbers = #tpu.dot_dimension_numbers<[1], [0], [0], [1], [0, 0, 1, 1], [], []>, transpose_lhs_hint = false} : vector<256x1024xbf16>, vector<1024x1024xbf16>, vector<256x1024xf32> -> vector<256x1024xf32>
    %get3A_9 = arith.constant 0 : index
    %get3A_10 = arith.constant 0 : index
    %get3A_11 = arith.constant 0 : index
    %get3A_12 = vector.load %arg5[%get3A_9, %get3A_10, %get3A_11] : memref<10x8x1024xf32, #tpu.memory_space<vmem>>, vector<10x8x1024xf32>
    %reduce_sum3A = arith.constant dense<0.000000e+00> : vector<8x1024xf32>
    %reduce_sum3A_13 = vector.multi_reduction <add>, %get3A_12, %reduce_sum3A [0] : vector<10x8x1024xf32> to vector<8x1024xf32>
    %get3A_14 = arith.constant 0 : index
    %get3A_15 = arith.constant 0 : index
    %get3A_16 = vector.load %arg6[%get3A_14, %get3A_15] : memref<6x1024xf32, #tpu.memory_space<vmem>>, vector<6x1024xf32>
    %reduce_sum3A_17 = arith.constant dense<0.000000e+00> : vector<1024xf32>
    %reduce_sum3A_18 = vector.multi_reduction <add>, %get3A_16, %reduce_sum3A_17 [0] : vector<6x1024xf32> to vector<1024xf32>
    %broadcast_in_dim3A_19 = vector.shape_cast %reduce_sum3A_18 : vector<1024xf32> to vector<1x1024xf32>
    %add3A = vector.broadcast %broadcast_in_dim3A_19 : vector<1x1024xf32> to vector<8x1024xf32>
    %add3A_20 = arith.addf %reduce_sum3A_13, %add3A : vector<8x1024xf32>
    %get3A_21 = arith.constant 0 : index
    %get3A_22 = arith.constant 0 : index
    %get3A_23 = vector.load %arg3[%get3A_21, %get3A_22] : memref<256x6xf32, #tpu.memory_space<vmem>>, vector<256x6xf32>
    %get3A_24 = arith.constant 0 : index
    %get3A_25 = arith.constant 0 : index
    %get3A_26 = vector.load %arg4[%get3A_24, %get3A_25] : memref<6x1024xf32, #tpu.memory_space<vmem>>, vector<6x1024xf32>
    %dot_general3A_27 = arith.constant dense<0.000000e+00> : vector<256x1024xf32>
    %dot_general3A_28 = tpu.matmul %get3A_23, %get3A_26, %dot_general3A_27 {dimension_numbers = #tpu.dot_dimension_numbers<[1], [0], [0], [1], [0, 0, 1, 1], [], []>, transpose_lhs_hint = false} : vector<256x6xf32>, vector<6x1024xf32>, vector<256x1024xf32> -> vector<256x1024xf32>
    %add3A_29 = arith.addf %dot_general3A_8, %dot_general3A_28 : vector<256x1024xf32>
    %broadcast_in_dim3A_30 = vector.shape_cast %add3A_29 : vector<256x1024xf32> to vector<256x1x1024xf32>
    %broadcast_in_dim3A_31 = vector.shape_cast %add3A_20 : vector<8x1024xf32> to vector<1x8x1024xf32>
    %add3A_32 = vector.broadcast %broadcast_in_dim3A_30 : vector<256x1x1024xf32> to vector<256x8x1024xf32>
    %add3A_33 = vector.broadcast %broadcast_in_dim3A_31 : vector<1x8x1024xf32> to vector<256x8x1024xf32>
    %add3A_34 = arith.addf %add3A_32, %add3A_33 : vector<256x8x1024xf32>
    %swap3A = arith.constant 0 : index
    %swap3A_35 = arith.constant 0 : index
    %swap3A_36 = arith.constant 0 : index
    %swap3A_37 = vector.load %arg7[%swap3A, %swap3A_35, %swap3A_36] : memref<256x8x1024xf32, #tpu.memory_space<vmem>>, vector<256x8x1024xf32>
    tpu.vector_store %arg7[%swap3A, %swap3A_35, %swap3A_36], %add3A_34 {strides = array<i32>} : memref<256x8x1024xf32, #tpu.memory_space<vmem>>, vector<256x8x1024xf32>,
    return
  }
  func.func @transform_0(%arg0: i32) -> (i32, i32) {
    %c0_i32 = arith.constant 0 : i32
    %c0_i32_0 = arith.constant 0 : i32
    return %arg0, %c0_i32 : i32, i32
  }
  func.func @transform_1(%arg0: i32) -> (i32, i32) {
    %c0_i32 = arith.constant 0 : i32
    %c0_i32_0 = arith.constant 0 : i32
    %c0_i32_1 = arith.constant 0 : i32
    return %c0_i32, %c0_i32_0 : i32, i32
  }
  func.func @transform_2(%arg0: i32) -> (i32, i32) {
    %c0_i32 = arith.constant 0 : i32
    %c0_i32_0 = arith.constant 0 : i32
    return %arg0, %c0_i32 : i32, i32
  }
  func.func @transform_3(%arg0: i32) -> (i32, i32) {
    %c0_i32 = arith.constant 0 : i32
    %c0_i32_0 = arith.constant 0 : i32
    %c0_i32_1 = arith.constant 0 : i32
    return %c0_i32, %c0_i32_0 : i32, i32
  }
  func.func @transform_4(%arg0: i32) -> (i32, i32, i32) {
    %c0_i32 = arith.constant 0 : i32
    %c0_i32_0 = arith.constant 0 : i32
    %c0_i32_1 = arith.constant 0 : i32
    %c0_i32_2 = arith.constant 0 : i32
    return %c0_i32, %c0_i32_0, %c0_i32_1 : i32, i32, i32
  }
  func.func @transform_5(%arg0: i32) -> (i32, i32) {
    %c0_i32 = arith.constant 0 : i32
    %c0_i32_0 = arith.constant 0 : i32
    %c0_i32_1 = arith.constant 0 : i32
    return %c0_i32, %c0_i32_0 : i32, i32
  }
  func.func @transform_6(%arg0: i32) -> (i32, i32, i32) {
    %c0_i32 = arith.constant 0 : i32
    %c0_i32_0 = arith.constant 0 : i32
    %c0_i32_1 = arith.constant 0 : i32
    return %arg0, %c0_i32, %c0_i32_0 : i32, i32, i32
  }
}

module attributes {stable_mosaic.version = 14 : i64} {
  func.func @_expand_chain_body(%arg0: i32, %arg1: memref<4096x8x1024xf32, #tpu.memory_space<any>>, %arg2: memref<256x1024xf32, #tpu.memory_space<vmem>>, %arg3: memref<256x6xf32, #tpu.memory_space<vmem>>, %arg4: memref<6x1024xf32, #tpu.memory_space<vmem>>, %arg5: memref<10x8x1024xf32, #tpu.memory_space<vmem>>, %arg6: memref<6x1024xf32, #tpu.memory_space<vmem>>, %arg7: memref<256x8x1024xf32, #tpu.memory_space<vmem>>) attributes {dimension_semantics = [#tpu.dimension_semantics<arbitrary>], iteration_bounds = array<i64: 4>, scalar_prefetch = 0 : i64, scratch_operands = 0 : i64, tpu.core_type = #tpu.core_type<tc>, window_params = [{}, {transform_indices = @transform_1, window_bounds = array<i64: 256, 1024>}, {transform_indices = @transform_2, window_bounds = array<i64: 256, 6>}, {pipeline_mode = #tpu.pipeline_mode<synchronous>, transform_indices = @transform_3, window_bounds = array<i64: 6, 1024>}, {pipeline_mode = #tpu.pipeline_mode<synchronous>, transform_indices = @transform_4, window_bounds = array<i64: 10, 8, 1024>}, {pipeline_mode = #tpu.pipeline_mode<synchronous>, transform_indices = @transform_5, window_bounds = array<i64: 6, 1024>}, {transform_indices = @transform_6, window_bounds = array<i64: 256, 8, 1024>}]} {
    %get3A = arith.constant 0 : index
    %get3A_0 = arith.constant 0 : index
    %get3A_1 = arith.constant 0 : index
    %get3A_2 = vector.load %arg5[%get3A, %get3A_0, %get3A_1] : memref<10x8x1024xf32, #tpu.memory_space<vmem>>, vector<10x8x1024xf32>
    %reduce_sum3A = arith.constant dense<0.000000e+00> : vector<8x1024xf32>
    %reduce_sum3A_3 = vector.multi_reduction <add>, %get3A_2, %reduce_sum3A [0] : vector<10x8x1024xf32> to vector<8x1024xf32>
    %get3A_4 = arith.constant 0 : index
    %get3A_5 = arith.constant 0 : index
    %get3A_6 = vector.load %arg6[%get3A_4, %get3A_5] : memref<6x1024xf32, #tpu.memory_space<vmem>>, vector<6x1024xf32>
    %reduce_sum3A_7 = arith.constant dense<0.000000e+00> : vector<1024xf32>
    %reduce_sum3A_8 = vector.multi_reduction <add>, %get3A_6, %reduce_sum3A_7 [0] : vector<6x1024xf32> to vector<1024xf32>
    %broadcast_in_dim3A = vector.shape_cast %reduce_sum3A_8 : vector<1024xf32> to vector<1x1024xf32>
    %add3A = vector.broadcast %broadcast_in_dim3A : vector<1x1024xf32> to vector<8x1024xf32>
    %add3A_9 = arith.addf %reduce_sum3A_3, %add3A : vector<8x1024xf32>
    %get3A_10 = arith.constant 0 : index
    %get3A_11 = arith.constant 0 : index
    %get3A_12 = vector.load %arg2[%get3A_10, %get3A_11] : memref<256x1024xf32, #tpu.memory_space<vmem>>, vector<256x1024xf32>
    %get3A_13 = arith.constant 0 : index
    %get3A_14 = arith.constant 0 : index
    %get3A_15 = vector.load %arg3[%get3A_13, %get3A_14] : memref<256x6xf32, #tpu.memory_space<vmem>>, vector<256x6xf32>
    %get3A_16 = arith.constant 0 : index
    %get3A_17 = arith.constant 0 : index
    %get3A_18 = vector.load %arg4[%get3A_16, %get3A_17] : memref<6x1024xf32, #tpu.memory_space<vmem>>, vector<6x1024xf32>
    %dot_general3A = arith.constant dense<0.000000e+00> : vector<256x1024xf32>
    %dot_general3A_19 = tpu.matmul %get3A_15, %get3A_18, %dot_general3A {dimension_numbers = #tpu.dot_dimension_numbers<[1], [0], [0], [1], [0, 0, 1, 1], [], []>, transpose_lhs_hint = false} : vector<256x6xf32>, vector<6x1024xf32>, vector<256x1024xf32> -> vector<256x1024xf32>
    %add3A_20 = arith.addf %get3A_12, %dot_general3A_19 : vector<256x1024xf32>
    %broadcast_in_dim3A_21 = vector.shape_cast %add3A_20 : vector<256x1024xf32> to vector<256x1x1024xf32>
    %broadcast_in_dim3A_22 = vector.shape_cast %add3A_9 : vector<8x1024xf32> to vector<1x8x1024xf32>
    %add3A_23 = vector.broadcast %broadcast_in_dim3A_21 : vector<256x1x1024xf32> to vector<256x8x1024xf32>
    %add3A_24 = vector.broadcast %broadcast_in_dim3A_22 : vector<1x8x1024xf32> to vector<256x8x1024xf32>
    %add3A_25 = arith.addf %add3A_23, %add3A_24 : vector<256x8x1024xf32>
    %swap3A = arith.constant 0 : index
    %swap3A_26 = arith.constant 0 : index
    %swap3A_27 = arith.constant 0 : index
    %swap3A_28 = vector.load %arg7[%swap3A, %swap3A_26, %swap3A_27] : memref<256x8x1024xf32, #tpu.memory_space<vmem>>, vector<256x8x1024xf32>
    tpu.vector_store %arg7[%swap3A, %swap3A_26, %swap3A_27], %add3A_25 {strides = array<i32>} : memref<256x8x1024xf32, #tpu.memory_space<vmem>>, vector<256x8x1024xf32>,
    return
  }
  func.func @transform_1(%arg0: i32) -> (i32, i32) {
    %c0_i32 = arith.constant 0 : i32
    %c0_i32_0 = arith.constant 0 : i32
    return %arg0, %c0_i32 : i32, i32
  }
  func.func @transform_2(%arg0: i32) -> (i32, i32) {
    %c0_i32 = arith.constant 0 : i32
    %c0_i32_0 = arith.constant 0 : i32
    return %arg0, %c0_i32 : i32, i32
  }
  func.func @transform_3(%arg0: i32) -> (i32, i32) {
    %c0_i32 = arith.constant 0 : i32
    %c0_i32_0 = arith.constant 0 : i32
    %c0_i32_1 = arith.constant 0 : i32
    return %c0_i32, %c0_i32_0 : i32, i32
  }
  func.func @transform_4(%arg0: i32) -> (i32, i32, i32) {
    %c0_i32 = arith.constant 0 : i32
    %c0_i32_0 = arith.constant 0 : i32
    %c0_i32_1 = arith.constant 0 : i32
    %c0_i32_2 = arith.constant 0 : i32
    return %c0_i32, %c0_i32_0, %c0_i32_1 : i32, i32, i32
  }
  func.func @transform_5(%arg0: i32) -> (i32, i32) {
    %c0_i32 = arith.constant 0 : i32
    %c0_i32_0 = arith.constant 0 : i32
    %c0_i32_1 = arith.constant 0 : i32
    return %c0_i32, %c0_i32_0 : i32, i32
  }
  func.func @transform_6(%arg0: i32) -> (i32, i32, i32) {
    %add3A = arith.constant 12 : i32
    %add3A_0 = arith.addi %add3A, %arg0 : i32
    %c0_i32 = arith.constant 0 : i32
    %c0_i32_1 = arith.constant 0 : i32
    %c0_i32_2 = arith.constant 0 : i32
    return %add3A_0, %c0_i32, %c0_i32_1 : i32, i32, i32
  }
}

</mosaic_0001>

<sc_bundles>
// kernel: kernel.5.cloned.1.call-start
scs
__scs_entry_jumppad:
0x0: {  	(pc) =	sbr.rel $0x88, $3  }
0x1: {  	(tag) =	ssettag $0x0;
	lr =	simm.s32 $0x1  }
0x2: {  	[smem:$0x3F9B] =	sst lr;
	_ =	strace $0xD0000000  }
0x3: {  	_ = 	snop  }
0x4: {  	_ = 	snop  }
0x5: {  	_ = 	snop  }
0x6: {  	_ = 	snop  }
0x7: {  	_ = 	snop  }
__scs_overlays_trampoline_lowered:
0x8: {  	[smem:$0x3FAA] =	sst s0  }
0x9: {  	[smem:$0x3FAB] =	sst s1  }
0xa: {  	[smem:$0x3FAC] =	sst s2  }
0xb: {  	[smem:$0x3FAD] =	sst s3  }
0xc: {  	[smem:$0x3FAE] =	sst s4  }
0xd: {  	[smem:$0x3FAF] =	sst s5  }
0xe: {  	[smem:$0x3FB0] =	sst s6  }
0xf: {  	[smem:$0x3FB1] =	sst s7  }
0x10: {  	[smem:$0x3FB2] =	sst s8  }
0x11: {  	[smem:$0x3FB3] =	sst s9;
	s0 =	simm.s32 @!p0 $0x0  }
0x12: {  	s1 =	sld [smem:$0x3F99];
	s0 =	simm.s32 @p0 $0x1  }
0x13: {  	[smem:$0x3FB4] =	sst s0;
	s0 =	simm.s32 @!p1 $0x0  }
0x14: {  	s2 =	sld [smem:$0x3F98];
	s0 =	simm.s32 @p1 $0x1  }
0x15: {  	[smem:$0x3FB5] =	sst s0;
	s0 =	simm.s32 @!p2 $0x0  }
0x16: {  	s3 =	sld [smem:$0x3FDB];
	s0 =	simm.s32 @p2 $0x1  }
0x17: {  	s4 =	simm.s32 $0x1BF5;
	[smem:$0x3FB7] =	sst s0  }
0x18: {  	s0 =	sld [smem:$0x3F9A];
	_ =	swait.ge [sflag:s4], $0x0  }
0x19: {  	s7 =	sld [smem:$0x3F9B]  }
0x1a: {  	s8 =	sadd.s32 $0xFFFFE003, lr  }
0x1b: {  	s9 =	sadd.s32 $0xFFFFFEF7, lr;
	s5 =	simm.s32 $0xFFFFFFFF;
	p2 =	slt.u32 s8, $0xFFFFF086  }
0x1c: {  	p1 =	slt.u32 s9, $0xF7A;
	s5 =	simm.s32 @!p2 $0x0  }
0x1d: {  	s5 =	simm.s32 @p1 $0x1;
	p0 =	seq.s32 s7, s2  }
0x1e: {  	s7 =	smul.u32 @!p0 $0xF7A, s2;
	p2 =	seq.s32 @!p0 s5, $0x0  }
0x1f: {  	s9 =	smul.u32 $0xF7A, s1;
	s8 =	simm.s32 @!p0 $0x1BF5;
	p2 =	por !p2, p0  }
0x20: {  	[sflag:s8] =	ssyncset.s32 @!p0 $0xFFFFF086;
	s6 =	sadd.s32 @!p0 s3, s7;
	s7 =	simm.s32 @!p0 $0x108  }
0x21: {  	s3 =	sadd.s32 s3, s9;
	s6 =	sadd.s32 @!p0 $0x88, s6;
	s7 =	simm.s32 @p2 $0x1082  }
0x22: {  	[simem:s7], [sflag:s8] =	dma.local @!p0 [hbm:s6], $0xF7A  }
0x23: {  	s9 =	sor.u32 $0xD0000000, s2;
	s6 =	simm.s32 $0x108;
	_ =	swait.ge @!p0 [sflag:s8], $0x0  }
0x24: {  	s3 =	sadd.s32 $0x88, s3;
	s6 =	simm.s32 @!p1 $0x1082;
	[sflag:s4] =	ssyncset.s32 $0xFFFFF086  }
0x25: {  	[simem:s6], [sflag:s4] =	dma.local [hbm:s3], $0xF7A  }
0x26: {  	[smem:$0x3F9B] =	sst s1;
	(tag) =	ssettag s2;
	_ =	strace s9  }
0x27: {  	s1 =	sld [smem:$0x3FAB]  }
0x28: {  	s2 =	sld [smem:$0x3FAC]  }
0x29: {  	s4 =	sld [smem:$0x3FAE]  }
0x2a: {  	p0 =	seq.s32 s5, $0x0;
	s5 =	sld [smem:$0x3FAF]  }
0x2b: {  	s6 =	sld [smem:$0x3FB0]  }
0x2c: {  	s7 =	sld [smem:$0x3FB1]  }
0x2d: {  	s3 =	simm.s32 $0x108;
	s8 =	sld [smem:$0x3FB2]  }
0x2e: {  	s3 =	simm.s32 @!p0 $0x1082;
	s9 =	sld [smem:$0x3FB3]  }
0x2f: {  	lr =	sadd.s32 s0, s3;
	s0 =	sld [smem:$0x3FAA]  }
0x30: {  	s3 =	sld [smem:$0x3FAD]  }
0x31: {  	[smem:$0x3FB6] =	sst s10  }
0x32: {  	s10 =	sld [smem:$0x3FB4];
	_ =	sdelay $0x3  }
0x33: {  	p0 =	seq.s32 s10, $0x1;
	s10 =	sld [smem:$0x3FB6];
	_ =	sdelay $0x3  }
0x34: {  	[smem:$0x3FB6] =	sst s10  }
0x35: {  	s10 =	sld [smem:$0x3FB5];
	_ =	sdelay $0x3  }
0x36: {  	p1 =	seq.s32 s10, $0x1;
	s10 =	sld [smem:$0x3FB6];
	_ =	sdelay $0x3  }
0x37: {  	[smem:$0x3FB6] =	sst s10  }
0x38: {  	s10 =	sld [smem:$0x3FB7]  }
0x39: {  	_ = 	snop;
	(pc) =	sbr.ind lr, $3  }
0x3a: {  	_ = 	snop  }
0x3b: {  	_ = 	snop  }
0x3c: {  	p2 =	seq.s32 s10, $0x1;
	s10 =	sld [smem:$0x3FB6]  }
0x3d: {  	_ =	shalt  }
0x3e: {  	_ =	shalt  }
0x3f: {  	_ =	shalt  }
0x40: {  	_ =	shalt  }
0x41: {  	_ =	shalt  }
0x42: {  	_ =	shalt  }
0x43: {  	_ =	shalt  }
0x44: {  	_ =	shalt  }
0x45: {  	_ =	shalt  }
0x46: {  	_ =	shalt  }
0x47: {  	_ =	shalt  }
0x48: {  	_ =	shalt  }
0x49: {  	_ =	shalt  }
0x4a: {  	_ =	shalt  }
0x4b: {  	_ =	shalt  }
0x4c: {  	_ =	shalt  }
0x4d: {  	_ =	shalt  }
0x4e: {  	_ =	shalt  }
0x4f: {  	_ =	shalt  }
0x50: {  	_ =	shalt  }
0x51: {  	_ =	shalt  }
0x52: {  	_ =	shalt  }
0x53: {  	_ =	shalt  }
0x54: {  	_ =	shalt  }
0x55: {  	_ =	shalt  }
0x56: {  	_ =	shalt  }
0x57: {  	_ =	shalt  }
0x58: {  	_ =	shalt  }
0x59: {  	_ =	shalt  }
0x5a: {  	_ =	shalt  }
0x5b: {  	_ =	shalt  }
0x5c: {  	_ =	shalt  }
0x5d: {  	_ =	shalt  }
0x5e: {  	_ =	shalt  }
0x5f: {  	_ =	shalt  }
0x60: {  	_ =	shalt  }
0x61: {  	_ =	shalt  }
0x62: {  	_ =	shalt  }
0x63: {  	_ =	shalt  }
0x64: {  	_ =	shalt  }
0x65: {  	_ =	shalt  }
0x66: {  	_ =	shalt  }
0x67: {  	_ =	shalt  }
0x68: {  	_ =	shalt  }
0x69: {  	_ =	shalt  }
0x6a: {  	_ =	shalt  }
0x6b: {  	_ =	shalt  }
0x6c: {  	_ =	shalt  }
0x6d: {  	_ =	shalt  }
0x6e: {  	_ =	shalt  }
0x6f: {  	_ =	shalt  }
0x70: {  	_ =	shalt  }
0x71: {  	_ =	shalt  }
0x72: {  	_ =	shalt  }
0x73: {  	_ =	shalt  }
0x74: {  	_ =	shalt  }
0x75: {  	_ =	shalt  }
0x76: {  	_ =	shalt  }
0x77: {  	_ =	shalt  }
0x78: {  	_ =	shalt  }
0x79: {  	_ =	shalt  }
0x7a: {  	_ =	shalt  }
0x7b: {  	_ =	shalt  }
0x7c: {  	_ =	shalt  }
0x7d: {  	_ =	shalt  }
0x7e: {  	_ =	shalt  }
0x7f: {  	_ =	shalt  }
0x80: {  	_ =	shalt  }
0x81: {  	_ =	shalt  }
0x82: {  	_ =	shalt  }
0x83: {  	_ =	shalt  }
0x84: {  	_ =	shalt  }
0x85: {  	_ =	shalt  }
0x86: {  	_ =	shalt  }
0x87: {  	_ =	shalt  }
.Lfunc_end0:
.L_simem_size_0:
called_computation_lowered:
.L_overlay_start_0:
0x88: {  	s2 =	sld [smem:$0x3FD9]  }
0x89: {  	s3 =	sld [smem:$0x3FFE];
	_ =	sdelay $0x1  }
0x8a: {  	s1 =	srdreg.scid  }
0x8b: {  	s0 =	sand.u32 $0x1, s1  }
0x8c: {  	s17 =	sshll.u32 s0, $0xA;
	s2 =	sadd.s32 s3, s2  }
0x8d: {  	s2 =	sadd.s32 s2, s17  }
0x8e: {  	[smem:$0x3FC2] =	sst s2  }
0x8f: {  	_ = 	snop  }
0x90: {  	s2 =	sld [smem:$0x3FC7];
	(tm) =	ssettm $0x1  }
0x91: {  	s18 =	sld [smem:$0x3FFB];
	_ =	sdelay $0x3  }
0x92: {  	_ =	strace s18  }
0x93: {  	s3 =	sld [smem:$0x3FFC];
	_ =	sdelay $0x3  }
0x94: {  	_ =	strace s3  }
0x95: {  	s3 =	sld [smem:$0x3FFD];
	_ =	sdelay $0x3  }
0x96: {  	_ =	strace s3  }
0x97: {  	_ =	strace $0x8FFFFFFF  }
0x98: {  	s19 =	sld [smem:$0x3FDB];
	_ =	sdelay $0x1  }
0x99: {  	s4 =	simm.s32 $_scs_section_size  }
0x9a: {  	s5 =	simm.s32 $_size__tile_overlayer_lowered;
	s6 =	simm.s32 $_tile_overlayer_lowered  }
0x9b: {  	s22 =	simm.s32 $0x1BFF;
	s21 =	sshll.u32 s6, $0x1;
	s3 =	sadd.s32 s4, s19  }
0x9c: {  	s7 =	simm.s32 $0x0;
	s20 =	sshll.u32 s5, $0x1;
	s5 =	sadd.s32 s21, s3  }
0x9d: {  	[timem:s7], [sflag:s22] =	dma.local [hbm:s5], s20  }
0x9e: {  	_ =	swait.ge [sflag:s22], s20  }
0x9f: {  	s4 =	ssub.s32 $0x0, s20;
	[sflag:s22] =	ssyncset.done $0x0  }
0xa0: {  	[sflag:s22] =	ssyncadd.s32 s4;
	_ =	sdelay $0x1  }
0xa1: {  	s23 =	simm.s32 $0x1B8B  }
0xa2: {  	_ =	swait.ge [sflag:s23], $0x1  }
0xa3: {  	[sflag:s23] =	ssyncset.done $0x0  }
0xa4: {  	s25 =	simm.s32 $0x1B8E;
	s24 =	sld [smem:$0x3FFE];
	[sflag:s23] =	ssyncadd.s32 $0xFFFFFFFF  }
0xa5: {  	s26 =	simm.s32 $execute0_lowered;
	[smem:$0x3FD2] =	sst s25  }
0xa6: {  	s5 =	sshll.u32 s26, $0x1;
	_ =	strace $0x80000046;
	[dreg:$0x1] =	wrdreg $0xFFFFFFFF  }
0xa7: {  	s28 =	simm.s32 $_size_execute0_lowered;
	s3 =	sadd.s32 s3, s5;
	[dreg:$0x0] =	wrdreg $0x0  }
0xa8: {  	s5 =	sshll.u32 s28, $0x1;
	[dreg:$0x2] =	wrdreg s3  }
0xa9: {  	[dreg:$0x3] =	wrdreg s5  }
0xaa: {  	[dreg:$0x4] =	wrdreg $0xC0  }
0xab: {  	_ =	task [dreg:s7], $0x5FFFF  }
0xac: {  	[dreg:$0x1] =	wrdreg $0xFFFFFFFF  }
0xad: {  	[dreg:$0x0] =	wrdreg $0x60  }
0xae: {  	[dreg:$0x2] =	wrdreg s2  }
0xaf: {  	[dreg:$0x3] =	wrdreg s24  }
0xb0: {  	[dreg:$0x4] =	wrdreg $0x9  }
0xb1: {  	_ =	task.clear_ibuf [dreg:s7], $0x5FFFF;
	_ =	strace $0x90000046  }
0xb2: {  	s29 =	simm.s32 $0x9;
	_ =	strace $0x80000048  }
0xb3: {  	_ =	swait.ge [sflag:s29], $0x1  }
0xb4: {  	[sflag:s29] =	ssyncadd.s32 $0xFFFFFFFF  }
0xb5: {  	_ =	strace $0x90000048  }
0xb6: {  	_ =	sfence  }
0xb7: {  	s30 =	sld [smem:$0x0];
	_ =	sdelay $0x2  }
0xb8: {  	s31 =	sshll.u32 s1, $0xD;
	s1 =	sshrl.u32 s1, $0x2  }
0xb9: {  	s3 =	sand.u32 $0x4000, s31;
	s1 =	sadd.s32 s1, s30  }
0xba: {  	s0 =	sor.u32 s3, s0;
	s1 =	sshll.u32 s1, $0x11  }
0xbb: {  	s0 =	sor.u32 s1, s0  }
0xbc: {  	s0 =	sadd.s32 $0x8F2B, s0  }
0xbd: {  	[sflag:s0] =	ssyncadd.remote.s32 $0x1  }
0xbe: {  	_ =	sfence.sel $0xFFFF  }
0xbf: {  	[dreg:$0x0] =	wrdreg $0xFFFFFFFF;
	(pc) =	sbr.abs _section_cstart, $3  }
0xc0: {  	[dreg:$0x1] =	wrdreg $0xFFFFFFFF  }
0xc1: {  	_ =	task.clear_ibuf [dreg:s7], $0x2FFFF;
	_ =	strace $0x9FFFFFFF  }
0xc2: {  	(tm) =	ssettm $0x7FFFFFFF  }
0xc3: {  	_ =	shalt  }
tec
execute0_lowered:
.L_overlay_start_1:
0x0: {  	(tag) =	ssettag $0x1  }
0x1: {  	s1 =	rddreg [dreg:$0x0]  }
0x2: {  	s0 =	rddreg [dreg:$0x1]  }
0x3: {  	s3 =	simm.s32 $0x0;
	s2 =	srdreg.scid;
	s4 =	stileid.u32  }
0x4: {  	s18 =	simm.s32 $0xE880;
	s19 =	simm.s32 $0xF080;
	s20 =	simm.s32 $0xF880  }
0x5: {  	s21 =	simm.s32 $0x1;
	s22 =	simm.s32 $0x10080;
	s23 =	simm.s32 $0x12080  }
0x6: {  	[smem:$0x7FF] =	sst s3;
	s2 =	sand.u32 $0x1, s2;
	s4 =	sshll.u32 s4, $0x1  }
0x7: {  	s7 =	sadd.s32 $0x300, s1;
	_ =	strace $0x80000047;
	s4 =	sor.u32 s2, s4  }
0x8: {  	s2 =	ssub.s32 $0x2, s2;
	s5 =	sshll.u32 s4, $0x4;
	s4 =	sshll.u32 s4, $0xC  }
0x9: {  	s6 =	sshrl.u32 s2, $0x1;
	s5 =	sadd.s32 s5, s0;
	s0 =	sadd.s32 s4, s0  }
0xa: {  	v2 =	vlaneseq.u32;
	s2 =	ssub.s32 s2, s6;
	s6 =	sadd.s32 $0x200, s1;
	s30 =	sadd.s32 $0x1600, s5  }
0xb: {  	vm0 =	vmmov $0xffff;
	v1 =	vshrl.u32 v2, $0x3;
	s4 =	simm.s32 $0x0;
	s31 =	smax.u32 s2, $0x1;
	[dreg:$0x3] =	wrdreg s30  }
0xc: {  	v0 =	vand.u32 $0x7, v2;
	v2 =	vor.u32 $0x8, v2;
	v1 =	vmul.u32 $0x8, v1;
	s5 =	sadd.s32 $0x100, s1;
	s8 =	sadd.s32 $0x1800, s0;
	[dreg:$0x4] =	wrdreg s31  }
.LBB2_1:
0xd: {  	[dreg:$0x5] =	wrdreg s4  }
0xe: {  	s0 =	rddreg [dreg:$0x3];
	s4 =	simm.s32 $0x5  }
0xf: {  	[tilespmem:s3], [sflag:$0x5] =	stream.linear.gather [hbm4b:s0+s3], $0x80, $0x38;
	[tilespmem:$0x14080] =	vst v63  }
0x10: {  	_ =	swait.ge [sflag:s4], $0x80  }
0x11: {  	[sflag:s4] =	ssyncset.done $0x0  }
0x12: {  	[sflag:s4] =	ssyncadd.s32 $0xFFFFFF80  }
0x13: {  	v3 =	vld [tilespmem:$0x0];
	_ =	sdelay $0x4  }
0x14: {  	v4 =	vshll.u32 v3, $0x3  }
0x15: {  	v3 =	vand.u32 $0x7, v3;
	v4 =	vand.u32 $0xFFFFFFC0, v4  }
0x16: {  	v3 =	vor.u32 v3, v4  }
0x17: {  	v4 =	vperm.xlane v3, v0;
	_ =	sdelay $0x1  }
0x18: {  	v4 =	vadd.s32 v1, v4;
	_ =	sdelay $0x3  }
0x19: {  	s9 =	simm.s32 $0x80  }
0x1a: {  	[tilespmem:s9], [sflag:$0x1] =	stream.indirect_vreg.gather [hbm4b:s1+s3], $0x80, v4, vm0, $0xb8;
	[tilespmem:$0x14080] =	vst v63  }
0x1b: {  	s10 =	simm.s32 $0x880;
	v3 =	vperm.xlane v3, v2  }
0x1c: {  	[tilespmem:s10], [sflag:$0x1] =	stream.indirect_vreg.gather [hbm4b:s5+s3], $0x80, v4, vm0, $0xb8;
	[tilespmem:$0x14080] =	vst v63  }
0x1d: {  	s11 =	simm.s32 $0x1080;
	v3 =	vadd.s32 v1, v3  }
0x1e: {  	[tilespmem:s11], [sflag:$0x1] =	stream.indirect_vreg.gather [hbm4b:s6+s3], $0x80, v4, vm0, $0xb8;
	[tilespmem:$0x14080] =	vst v63  }
0x1f: {  	s12 =	simm.s32 $0x1880  }
0x20: {  	[tilespmem:s12], [sflag:$0x1] =	stream.indirect_vreg.gather [hbm4b:s7+s3], $0x80, v4, vm0, $0xb8;
	[tilespmem:$0x14080] =	vst v63  }
0x21: {  	s13 =	simm.s32 $0x2080  }
0x22: {  	[tilespmem:s13], [sflag:$0x1] =	stream.indirect_vreg.gather [hbm4b:s1+s3], $0x80, v3, vm0, $0xb8;
	[tilespmem:$0x14080] =	vst v63  }
0x23: {  	s14 =	simm.s32 $0x2880  }
0x24: {  	[tilespmem:s14], [sflag:$0x1] =	stream.indirect_vreg.gather [hbm4b:s5+s3], $0x80, v3, vm0, $0xb8;
	[tilespmem:$0x14080] =	vst v63  }
0x25: {  	s15 =	simm.s32 $0x3080  }
0x26: {  	[tilespmem:s15], [sflag:$0x1] =	stream.indirect_vreg.gather [hbm4b:s6+s3], $0x80, v3, vm0, $0xb8;
	[tilespmem:$0x14080] =	vst v63  }
0x27: {  	s16 =	simm.s32 $0x3880  }
0x28: {  	[tilespmem:s16], [sflag:$0x1] =	stream.indirect_vreg.gather [hbm4b:s7+s3], $0x80, v3, vm0, $0xb8;
	[tilespmem:$0x14080] =	vst v63  }
0x29: {  	v3 =	vld [tilespmem:$0x10];
	_ =	sdelay $0x4  }
0x2a: {  	v63 =	vshll.u32 v3, $0x3  }
0x2b: {  	v3 =	vand.u32 $0x7, v3;
	v4 =	vand.u32 $0xFFFFFFC0, v63  }
0x2c: {  	v3 =	vor.u32 v3, v4  }
0x2d: {  	v4 =	vperm.xlane v3, v0;
	_ =	sdelay $0x1  }
0x2e: {  	v4 =	vadd.s32 v1, v4;
	_ =	sdelay $0x3  }
0x2f: {  	s17 =	simm.s32 $0x4080  }
0x30: {  	[tilespmem:s17], [sflag:$0x1] =	stream.indirect_vreg.gather [hbm4b:s1+s3], $0x80, v4, vm0, $0xb8;
	[tilespmem:$0x14080] =	vst v63  }
0x31: {  	s24 =	simm.s32 $0x4880;
	v3 =	vperm.xlane v3, v2  }
0x32: {  	[tilespmem:s24], [sflag:$0x1] =	stream.indirect_vreg.gather [hbm4b:s5+s3], $0x80, v4, vm0, $0xb8;
	[tilespmem:$0x14080] =	vst v63  }
0x33: {  	s25 =	simm.s32 $0x5080;
	v3 =	vadd.s32 v1, v3  }
0x34: {  	[tilespmem:s25], [sflag:$0x1] =	stream.indirect_vreg.gather [hbm4b:s6+s3], $0x80, v4, vm0, $0xb8;
	[tilespmem:$0x14080] =	vst v63  }
0x35: {  	s26 =	simm.s32 $0x5880  }
0x36: {  	[tilespmem:s26], [sflag:$0x1] =	stream.indirect_vreg.gather [hbm4b:s7+s3], $0x80, v4, vm0, $0xb8;
	[tilespmem:$0x14080] =	vst v63  }
0x37: {  	s28 =	simm.s32 $0x6080  }
0x38: {  	[tilespmem:s28], [sflag:$0x1] =	stream.indirect_vreg.gather [hbm4b:s1+s3], $0x80, v3, vm0, $0xb8;
	[tilespmem:$0x14080] =	vst v63  }
0x39: {  	s29 =	simm.s32 $0x6880  }
0x3a: {  	[tilespmem:s29], [sflag:$0x1] =	stream.indirect_vreg.gather [hbm4b:s5+s3], $0x80, v3, vm0, $0xb8;
	[tilespmem:$0x14080] =	vst v63  }
0x3b: {  	s30 =	simm.s32 $0x7080;
	s31 =	simm.s32 $0x7880  }
0x3c: {  	[tilespmem:s30], [sflag:$0x1] =	stream.indirect_vreg.gather [hbm4b:s6+s3], $0x80, v3, vm0, $0xb8;
	[tilespmem:$0x14080] =	vst v63  }
0x3d: {  	p1 =	por $0x1, $0x1;
	p2 =	por $0x0, $0x0;
	s9 =	simm.s32 $0x0  }
0x3e: {  	[tilespmem:s31], [sflag:$0x1] =	stream.indirect_vreg.gather [hbm4b:s7+s3], $0x80, v3, vm0, $0xb8;
	[tilespmem:$0x14080] =	vst v63  }
.LBB2_2:
0x3f: {  	s4 =	sshllo.u32 s9, $0x1  }
0x40: {  	s0 =	sshll.u32 s4, $0x5  }
0x41: {  	s0 =	sand.u32 $0x3FFFFFE0, s0  }
0x42: {  	v3 =	vld [tilespmem:s0+$0x0];
	_ =	sdelay $0x4  }
0x43: {  	v4 =	vshll.u32 v3, $0x3  }
0x44: {  	v3 =	vand.u32 $0x7, v3;
	v4 =	vand.u32 $0xFFFFFFC0, v4  }
0x45: {  	v3 =	vor.u32 v3, v4  }
0x46: {  	v4 =	vperm.xlane v3, v0;
	_ =	sdelay $0x1  }
0x47: {  	v4 =	vadd.s32 v1, v4;
	_ =	sdelay $0x3  }
0x48: {  	s2 =	simm.s32 $0x8080  }
0x49: {  	[tilespmem:s2], [sflag:$0x2] =	stream.indirect_vreg.gather [hbm4b:s1+s3], $0x80, v4, vm0, $0xb8;
	[tilespmem:$0x14080] =	vst v63  }
0x4a: {  	s12 =	simm.s32 $0x8880;
	v3 =	vperm.xlane v3, v2  }
0x4b: {  	[tilespmem:s12], [sflag:$0x2] =	stream.indirect_vreg.gather [hbm4b:s5+s3], $0x80, v4, vm0, $0xb8;
	[tilespmem:$0x14080] =	vst v63  }
0x4c: {  	s13 =	simm.s32 $0x9080;
	v3 =	vadd.s32 v1, v3  }
0x4d: {  	[tilespmem:s13], [sflag:$0x2] =	stream.indirect_vreg.gather [hbm4b:s6+s3], $0x80, v4, vm0, $0xb8;
	[tilespmem:$0x14080] =	vst v63  }
0x4e: {  	s14 =	simm.s32 $0x9880  }
0x4f: {  	[tilespmem:s14], [sflag:$0x2] =	stream.indirect_vreg.gather [hbm4b:s7+s3], $0x80, v4, vm0, $0xb8;
	[tilespmem:$0x14080] =	vst v63  }
0x50: {  	s15 =	simm.s32 $0xA080  }
0x51: {  	[tilespmem:s15], [sflag:$0x2] =	stream.indirect_vreg.gather [hbm4b:s1+s3], $0x80, v3, vm0, $0xb8;
	[tilespmem:$0x14080] =	vst v63  }
0x52: {  	s16 =	simm.s32 $0xA880  }
0x53: {  	[tilespmem:s16], [sflag:$0x2] =	stream.indirect_vreg.gather [hbm4b:s5+s3], $0x80, v3, vm0, $0xb8;
	[tilespmem:$0x14080] =	vst v63  }
0x54: {  	s17 =	simm.s32 $0xB080  }
0x55: {  	[tilespmem:s17], [sflag:$0x2] =	stream.indirect_vreg.gather [hbm4b:s6+s3], $0x80, v3, vm0, $0xb8;
	[tilespmem:$0x14080] =	vst v63  }
0x56: {  	s24 =	simm.s32 $0xB880  }
0x57: {  	[tilespmem:s24], [sflag:$0x2] =	stream.indirect_vreg.gather [hbm4b:s7+s3], $0x80, v3, vm0, $0xb8;
	[tilespmem:$0x14080] =	vst v63  }
0x58: {  	v3 =	vld [tilespmem:s0+$0x10];
	_ =	sdelay $0x4  }
0x59: {  	v4 =	vshll.u32 v3, $0x3  }
0x5a: {  	v3 =	vand.u32 $0x7, v3;
	v4 =	vand.u32 $0xFFFFFFC0, v4  }
0x5b: {  	v3 =	vor.u32 v3, v4  }
0x5c: {  	v4 =	vperm.xlane v3, v0;
	_ =	sdelay $0x1  }
0x5d: {  	v4 =	vadd.s32 v1, v4;
	_ =	sdelay $0x3  }
0x5e: {  	s25 =	simm.s32 $0xC080  }
0x5f: {  	[tilespmem:s25], [sflag:$0x2] =	stream.indirect_vreg.gather [hbm4b:s1+s3], $0x80, v4, vm0, $0xb8;
	[tilespmem:$0x14080] =	vst v63  }
0x60: {  	s26 =	simm.s32 $0xC880;
	v3 =	vperm.xlane v3, v2  }
0x61: {  	[tilespmem:s26], [sflag:$0x2] =	stream.indirect_vreg.gather [hbm4b:s5+s3], $0x80, v4, vm0, $0xb8;
	[tilespmem:$0x14080] =	vst v63  }
0x62: {  	s2 =	simm.s32 $0xD080;
	v3 =	vadd.s32 v1, v3  }
0x63: {  	[tilespmem:s2], [sflag:$0x2] =	stream.indirect_vreg.gather [hbm4b:s6+s3], $0x80, v4, vm0, $0xb8;
	[tilespmem:$0x14080] =	vst v63  }
0x64: {  	s10 =	simm.s32 $0xD880  }
0x65: {  	[tilespmem:s10], [sflag:$0x2] =	stream.indirect_vreg.gather [hbm4b:s7+s3], $0x80, v4, vm0, $0xb8;
	[tilespmem:$0x14080] =	vst v63  }
0x66: {  	s11 =	simm.s32 $0xE080  }
0x67: {  	[tilespmem:s11], [sflag:$0x2] =	stream.indirect_vreg.gather [hbm4b:s1+s3], $0x80, v3, vm0, $0xb8;
	[tilespmem:$0x14080] =	vst v63  }
0x68: {  	_ = 	snop  }
0x69: {  	[tilespmem:s18], [sflag:$0x2] =	stream.indirect_vreg.gather [hbm4b:s5+s3], $0x80, v3, vm0, $0xb8;
	[tilespmem:$0x14080] =	vst v63  }
0x6a: {  	_ = 	snop  }
0x6b: {  	[tilespmem:s19], [sflag:$0x2] =	stream.indirect_vreg.gather [hbm4b:s6+s3], $0x80, v3, vm0, $0xb8;
	[tilespmem:$0x14080] =	vst v63  }
0x6c: {  	s12 =	simm.s32 $0x0  }
0x6d: {  	[tilespmem:s20], [sflag:$0x2] =	stream.indirect_vreg.gather [hbm4b:s7+s3], $0x80, v3, vm0, $0xb8;
	[tilespmem:$0x14080] =	vst v63  }
0x6e: {  	s12 =	sand.u32 $0x1800, s12;
	_ =	swait.ge [sflag:s21], $0x8000  }
0x6f: {  	s14 =	simm.s32 $0x0;
	s10 =	simm.s32 $0x0;
	[sflag:s21] =	ssyncset.done $0x0  }
0x70: {  	s0 =	simm.s32 @p2 $0x3;
	s13 =	sand.u32 $0x6000, s10;
	[sflag:s21] =	ssyncadd.s32 $0xFFFF8000  }
0x71: {  	s15 =	sor.u32 $0x400, s12;
	s11 =	sor.u32 $0x80, s13;
	_ =	swait.ge @p2 [sflag:s0], $0x2000  }
0x72: {  	s10 =	sand.u32 $0x200, s14;
	s14 =	sor.u32 s15, s11;
	[sflag:s0] =	ssyncset.done @p2 $0x0  }
0x73: {  	s25 =	sor.u32 $0x80, s10;
	s13 =	sor.u32 s10, s14;
	[sflag:s0] =	ssyncadd.s32 @p2 $0xFFFFE000  }
0x74: {  	s28 =	sor.u32 $0x100, s10;
	s0 =	sadd.s32 s25, s14;
	v3 =	vld [tilespmem:s13+$0x40]  }
0x75: {  	s29 =	sor.u32 $0x180, s10;
	s2 =	sor.u32 s28, s14;
	v4 =	vld [tilespmem:s0+$0x40]  }
0x76: {  	s30 =	sor.u32 s12, s11;
	s11 =	sadd.s32 s29, s14;
	v5 =	vld [tilespmem:s2+$0x40]  }
0x77: {  	s24 =	sor.u32 s10, s30;
	v6 =	vld [tilespmem:s11+$0x40]  }
0x78: {  	s26 =	sadd.s32 s25, s30;
	v7 =	vld [tilespmem:s24+$0x0]  }
0x79: {  	s16 =	sor.u32 s28, s30;
	v8 =	vld [tilespmem:s26+$0x0]  }
0x7a: {  	s14 =	sadd.s32 s29, s30;
	v9 =	vld [tilespmem:s16+$0x0]  }
0x7b: {  	v10 =	vld [tilespmem:s14+$0x0]  }
0x7c: {  	s17 =	simm.s32 $0x0;
	v11 =	vld [tilespmem:s24+$0x40];
	v3 =	vadd.f32 v4, v3;
	v4 =	vadd.f32 v6, v5  }
0x7d: {  	s28 =	sand.u32 $0xFFFFFF80, s17;
	v12 =	vld [tilespmem:s13+$0x0]  }
0x7e: {  	s15 =	sadd.s32 s28, s15;
	v5 =	vld [tilespmem:s26+$0x40];
	v3 =	vadd.f32 v4, v3  }
0x7f: {  	s10 =	sadd.s32 $0x10080, s15;
	v6 =	vld [tilespmem:s16+$0x40]  }
0x80: {  	v4 =	vld [tilespmem:s14+$0x40];
	[tilespmem:s10+$0x40] =	vst v3  }
0x81: {  	v3 =	vld [tilespmem:s13+$0x50]  }
0x82: {  	v7 =	vadd.f32 v8, v7;
	v8 =	vadd.f32 v10, v9;
	v13 =	vld [tilespmem:s0+$0x50]  }
0x83: {  	v9 =	vld [tilespmem:s2+$0x50]  }
0x84: {  	v7 =	vadd.f32 v8, v7;
	v10 =	vld [tilespmem:s11+$0x50]  }
0x85: {  	s12 =	sadd.s32 s28, s12;
	v8 =	vld [tilespmem:s0+$0x0]  }
0x86: {  	[tilespmem:s12+$0x10080] =	vst v7;
	v7 =	vld [tilespmem:s11+$0x0];
	v5 =	vadd.f32 v5, v11;
	v4 =	vadd.f32 v4, v6  }
0x87: {  	v11 =	vld [tilespmem:s26+$0x10]  }
0x88: {  	v6 =	vld [tilespmem:s2+$0x0];
	v4 =	vadd.f32 v4, v5  }
0x89: {  	v5 =	vld [tilespmem:s24+$0x10];
	v3 =	vadd.f32 v13, v3;
	v9 =	vadd.f32 v10, v9  }
0x8a: {  	s12 =	sadd.s32 $0x10080, s12;
	v10 =	vld [tilespmem:s16+$0x10]  }
0x8b: {  	[tilespmem:s12+$0x40] =	vst v4;
	v4 =	vld [tilespmem:s14+$0x10];
	v3 =	vadd.f32 v9, v3  }
0x8c: {  	v9 =	vld [tilespmem:s24+$0x50]  }
0x8d: {  	v13 =	vld [tilespmem:s26+$0x50];
	[tilespmem:s10+$0x50] =	vst v3  }
0x8e: {  	v3 =	vld [tilespmem:s13+$0x60]  }
0x8f: {  	v8 =	vadd.f32 v8, v12;
	v6 =	vadd.f32 v7, v6;
	v7 =	vld [tilespmem:s0+$0x60]  }
0x90: {  	v12 =	vld [tilespmem:s2+$0x60]  }
0x91: {  	v6 =	vadd.f32 v6, v8;
	v8 =	vld [tilespmem:s11+$0x60]  }
0x92: {  	v14 =	vld [tilespmem:s16+$0x50]  }
0x93: {  	v5 =	vadd.f32 v11, v5;
	v4 =	vadd.f32 v4, v10;
	[tilespmem:s15+$0x10080] =	vst v6;
	v6 =	vld [tilespmem:s14+$0x50]  }
0x94: {  	v10 =	vld [tilespmem:s13+$0x10]  }
0x95: {  	v11 =	vld [tilespmem:s0+$0x10];
	v4 =	vadd.f32 v4, v5  }
0x96: {  	v15 =	vld [tilespmem:s2+$0x10];
	v3 =	vadd.f32 v7, v3;
	v5 =	vadd.f32 v8, v12  }
0x97: {  	[tilespmem:s12+$0x10] =	vst v4;
	v7 =	vld [tilespmem:s11+$0x10]  }
0x98: {  	v8 =	vld [tilespmem:s24+$0x20];
	v3 =	vadd.f32 v5, v3  }
0x99: {  	v12 =	vld [tilespmem:s26+$0x20]  }
0x9a: {  	v4 =	vadd.f32 v13, v9;
	v5 =	vadd.f32 v6, v14;
	v6 =	vld [tilespmem:s16+$0x20];
	[tilespmem:s10+$0x60] =	vst v3  }
0x9b: {  	v3 =	vld [tilespmem:s13+$0x70]  }
0x9c: {  	v9 =	vadd.f32 v5, v4;
	v5 =	vld [tilespmem:s0+$0x70]  }
0x9d: {  	v4 =	vld [tilespmem:s2+$0x70]  }
0x9e: {  	v10 =	vadd.f32 v11, v10;
	v7 =	vadd.f32 v7, v15;
	[tilespmem:s12+$0x50] =	vst v9;
	v9 =	vld [tilespmem:s14+$0x20]  }
0x9f: {  	v11 =	vld [tilespmem:s24+$0x60]  }
0xa0: {  	v7 =	vadd.f32 v7, v10;
	v10 =	vld [tilespmem:s26+$0x60]  }
0xa1: {  	v13 =	vld [tilespmem:s16+$0x60]  }
0xa2: {  	[tilespmem:s10+$0x10] =	vst v7;
	v7 =	vld [tilespmem:s14+$0x60]  }
0xa3: {  	v8 =	vadd.f32 v12, v8;
	v12 =	vld [tilespmem:s13+$0x20];
	v6 =	vadd.f32 v9, v6  }
0xa4: {  	v14 =	vld [tilespmem:s0+$0x20]  }
0xa5: {  	v15 =	vld [tilespmem:s11+$0x20];
	v6 =	vadd.f32 v6, v8  }
0xa6: {  	v8 =	vld [tilespmem:s2+$0x20]  }
0xa7: {  	v9 =	vld [tilespmem:s11+$0x70];
	v10 =	vadd.f32 v10, v11;
	[tilespmem:s12+$0x20] =	vst v6;
	v6 =	vadd.f32 v7, v13  }
0xa8: {  	v11 =	vld [tilespmem:s24+$0x30]  }
0xa9: {  	v13 =	vld [tilespmem:s26+$0x30];
	v6 =	vadd.f32 v6, v10  }
0xaa: {  	v7 =	vadd.f32 v14, v12;
	v12 =	vld [tilespmem:s14+$0x30]  }
0xab: {  	v10 =	vld [tilespmem:s16+$0x30];
	[tilespmem:s12+$0x60] =	vst v6;
	v6 =	vadd.f32 v15, v8  }
0xac: {  	v14 =	vld [tilespmem:s24+$0x70]  }
0xad: {  	v15 =	vld [tilespmem:s26+$0x70];
	v6 =	vadd.f32 v6, v7  }
0xae: {  	v16 =	vld [tilespmem:s16+$0x70]  }
0xaf: {  	s26 =	simm.s32 $0x400;
	s24 =	simm.s32 $0x800;
	v17 =	vld [tilespmem:s14+$0x70];
	[tilespmem:s10+$0x20] =	vst v6  }
0xb0: {  	s16 =	sand.u32 $0x1800, s24;
	s15 =	sand.u32 $0x6000, s26;
	v7 =	vld [tilespmem:s13+$0x30]  }
0xb1: {  	s17 =	simm.s32 $0x80;
	s15 =	sor.u32 $0x80, s15;
	s30 =	sor.u32 $0x400, s16;
	v8 =	vld [tilespmem:s0+$0x30]  }
0xb2: {  	s25 =	sor.u32 s30, s15;
	s13 =	sand.u32 $0x200, s17;
	v6 =	vld [tilespmem:s2+$0x30]  }
0xb3: {  	s15 =	sor.u32 s16, s15;
	v27 =	vld [tilespmem:s11+$0x30];
	s0 =	sor.u32 $0x80, s13;
	s26 =	sor.u32 s13, s25  }
0xb4: {  	s2 =	sor.u32 $0x100, s13;
	s17 =	sor.u32 $0x180, s13;
	s13 =	sor.u32 s13, s15;
	v18 =	vld [tilespmem:s26+$0x40]  }
0xb5: {  	v22 =	vld [tilespmem:s13+$0x0]  }
0xb6: {  	v26 =	vld [tilespmem:s13+$0x40]  }
0xb7: {  	s28 =	sadd.s32 s0, s25;
	v28 =	vld [tilespmem:s26+$0x0]  }
0xb8: {  	s29 =	sor.u32 s2, s25;
	v19 =	vld [tilespmem:s28+$0x40]  }
0xb9: {  	s25 =	sadd.s32 s17, s25;
	v20 =	vld [tilespmem:s29+$0x40]  }
0xba: {  	s0 =	sadd.s32 s0, s15;
	v21 =	vld [tilespmem:s25+$0x40]  }
0xbb: {  	s31 =	sor.u32 s2, s15;
	v23 =	vld [tilespmem:s0+$0x0]  }
0xbc: {  	s2 =	sadd.s32 s17, s15;
	v24 =	vld [tilespmem:s31+$0x0]  }
0xbd: {  	v25 =	vld [tilespmem:s2+$0x0]  }
0xbe: {  	v60 =	vld [tilespmem:s0+$0x40]  }
0xbf: {  	s15 =	simm.s32 $0x20;
	v61 =	vld [tilespmem:s31+$0x40];
	v18 =	vadd.f32 v19, v18;
	v59 =	vadd.f32 v21, v20  }
0xc0: {  	s14 =	sand.u32 $0xFFFFFF80, s15;
	v62 =	vld [tilespmem:s2+$0x40]  }
0xc1: {  	v32 =	vld [tilespmem:s28+$0x0];
	s15 =	sadd.s32 s14, s30;
	v18 =	vadd.f32 v59, v18  }
0xc2: {  	v33 =	vld [tilespmem:s29+$0x0];
	s30 =	sadd.s32 $0x10080, s15  }
0xc3: {  	v34 =	vld [tilespmem:s25+$0x0];
	v22 =	vadd.f32 v23, v22;
	v63 =	vadd.f32 v25, v24;
	[tilespmem:s30+$0x40] =	vst v18  }
0xc4: {  	v18 =	vld [tilespmem:s26+$0x50]  }
0xc5: {  	v22 =	vadd.f32 v63, v22;
	v29 =	vld [tilespmem:s28+$0x50]  }
0xc6: {  	s17 =	sadd.s32 s14, s16;
	v30 =	vld [tilespmem:s29+$0x50]  }
0xc7: {  	v20 =	vadd.f32 v60, v26;
	v19 =	vadd.f32 v62, v61;
	[tilespmem:s17+$0x10080] =	vst v22;
	v31 =	vld [tilespmem:s25+$0x50]  }
0xc8: {  	v35 =	vld [tilespmem:s13+$0x10]  }
0xc9: {  	v19 =	vadd.f32 v19, v20;
	v36 =	vld [tilespmem:s0+$0x10]  }
0xca: {  	s11 =	sadd.s32 $0x10080, s17;
	v23 =	vadd.f32 v32, v28;
	v21 =	vadd.f32 v34, v33;
	v37 =	vld [tilespmem:s31+$0x10]  }
0xcb: {  	[tilespmem:s11+$0x40] =	vst v19;
	v38 =	vld [tilespmem:s2+$0x10]  }
0xcc: {  	v21 =	vadd.f32 v21, v23;
	v39 =	vld [tilespmem:s13+$0x50]  }
0xcd: {  	v40 =	vld [tilespmem:s0+$0x50]  }
0xce: {  	[tilespmem:s15+$0x10080] =	vst v21;
	v44 =	vld [tilespmem:s2+$0x50]  }
0xcf: {  	v45 =	vld [tilespmem:s26+$0x10];
	v18 =	vadd.f32 v29, v18;
	v24 =	vadd.f32 v31, v30  }
0xd0: {  	v46 =	vld [tilespmem:s28+$0x10]  }
0xd1: {  	v47 =	vld [tilespmem:s29+$0x10];
	v18 =	vadd.f32 v24, v18  }
0xd2: {  	v48 =	vld [tilespmem:s25+$0x10]  }
0xd3: {  	v30 =	vld [tilespmem:s31+$0x50];
	v20 =	vadd.f32 v36, v35;
	v19 =	vadd.f32 v38, v37;
	[tilespmem:s30+$0x50] =	vst v18  }
0xd4: {  	v18 =	vld [tilespmem:s26+$0x60]  }
0xd5: {  	v19 =	vadd.f32 v19, v20;
	v41 =	vld [tilespmem:s28+$0x60]  }
0xd6: {  	v4 =	vadd.f32 v9, v4;
	v11 =	vadd.f32 v13, v11;
	v42 =	vld [tilespmem:s29+$0x60]  }
0xd7: {  	v20 =	vadd.f32 v46, v45;
	[tilespmem:s11+$0x10] =	vst v19;
	v19 =	vadd.f32 v48, v47;
	v43 =	vld [tilespmem:s25+$0x60]  }
0xd8: {  	v50 =	vadd.f32 v40, v39;
	v49 =	vld [tilespmem:s13+$0x20];
	v21 =	vadd.f32 v44, v30  }
0xd9: {  	v10 =	vadd.f32 v12, v10;
	v51 =	vld [tilespmem:s0+$0x20];
	v9 =	vadd.f32 v19, v20  }
0xda: {  	v52 =	vld [tilespmem:s31+$0x20];
	v53 =	vadd.f32 v21, v50  }
0xdb: {  	v10 =	vadd.f32 v10, v11;
	v11 =	vadd.f32 v15, v14;
	v56 =	vld [tilespmem:s2+$0x20];
	[tilespmem:s30+$0x10] =	vst v9  }
0xdc: {  	[tilespmem:s11+$0x50] =	vst v53;
	v14 =	vld [tilespmem:s26+$0x20];
	v18 =	vadd.f32 v41, v18;
	v23 =	vadd.f32 v43, v42  }
0xdd: {  	v57 =	vld [tilespmem:s13+$0x60]  }
0xde: {  	v58 =	vld [tilespmem:s0+$0x60];
	v18 =	vadd.f32 v23, v18  }
0xdf: {  	v3 =	vadd.f32 v5, v3;
	v5 =	vld [tilespmem:s31+$0x60]  }
0xe0: {  	v59 =	vld [tilespmem:s2+$0x60];
	[tilespmem:s30+$0x60] =	vst v18  }
0xe1: {  	v54 =	vld [tilespmem:s26+$0x70]  }
0xe2: {  	v55 =	vld [tilespmem:s28+$0x70]  }
0xe3: {  	v12 =	vld [tilespmem:s29+$0x70]  }
0xe4: {  	v13 =	vadd.f32 v51, v49;
	v9 =	vadd.f32 v56, v52;
	v60 =	vld [tilespmem:s25+$0x70]  }
0xe5: {  	v15 =	vadd.f32 v17, v16;
	v62 =	vld [tilespmem:s29+$0x20]  }
0xe6: {  	v63 =	vld [tilespmem:s25+$0x20];
	v9 =	vadd.f32 v9, v13  }
0xe7: {  	v3 =	vadd.f32 v4, v3;
	v11 =	vadd.f32 v15, v11;
	v13 =	vld [tilespmem:s28+$0x20]  }
0xe8: {  	[tilespmem:s11+$0x20] =	vst v9;
	v61 =	vadd.f32 v58, v57;
	v5 =	vadd.f32 v59, v5  }
0xe9: {  	[tilespmem:s12+$0x30] =	vst v10;
	v10 =	vld [tilespmem:s13+$0x30];
	v15 =	vadd.f32 v55, v54;
	v9 =	vadd.f32 v60, v12  }
0xea: {  	[tilespmem:s12+$0x70] =	vst v11;
	v11 =	vld [tilespmem:s0+$0x30];
	v5 =	vadd.f32 v5, v61  }
0xeb: {  	[tilespmem:s10+$0x70] =	vst v3;
	v3 =	vadd.f32 v8, v7;
	v7 =	vld [tilespmem:s2+$0x30];
	v4 =	vadd.f32 v9, v15  }
0xec: {  	v8 =	vadd.f32 v13, v14;
	[tilespmem:s11+$0x60] =	vst v5;
	v12 =	vadd.f32 v63, v62;
	v9 =	vld [tilespmem:s31+$0x30]  }
0xed: {  	p0 =	por p1, p1;
	s12 =	simm.s32 $0x4;
	v5 =	vld [tilespmem:s13+$0x70];
	[tilespmem:s30+$0x70] =	vst v4;
	v4 =	vadd.f32 v27, v6  }
.LBB2_3:
0xee: {  	s12 =	sadd.s32 $0x4, s12;
	v6 =	vld [tilespmem:s0+$0x70];
	v8 =	vadd.f32 v12, v8  }
0xef: {  	s24 =	sadd.s32 $0x800, s24;
	s0 =	sshll.u32 s12, $0x8;
	p1 =	slt.u32 s12, $0x7C;
	v10 =	vadd.f32 v11, v10;
	v11 =	vld [tilespmem:s31+$0x70];
	v3 =	vadd.f32 v4, v3  }
0xf0: {  	s15 =	sand.u32 $0x1800, s24;
	s0 =	sand.u32 $0x6000, s0;
	v12 =	vld [tilespmem:s2+$0x70];
	[tilespmem:s30+$0x20] =	vst v8  }
0xf1: {  	s2 =	sshll.u32 s12, $0x5;
	s16 =	sor.u32 $0x400, s15;
	s0 =	sor.u32 $0x80, s0;
	v4 =	vadd.f32 v7, v9;
	v7 =	vld [tilespmem:s26+$0x30];
	[tilespmem:s10+$0x30] =	vst v3  }
0xf2: {  	s2 =	sand.u32 $0x200, s2;
	s10 =	sor.u32 s15, s0;
	s14 =	sor.u32 s16, s0;
	v3 =	vld [tilespmem:s28+$0x30]  }
0xf3: {  	s17 =	sor.u32 $0x80, s2;
	s13 =	sor.u32 s2, s10;
	s26 =	sor.u32 s2, s14;
	v8 =	vadd.f32 v4, v10;
	v5 =	vadd.f32 v6, v5;
	v4 =	vld [tilespmem:s29+$0x30]  }
0xf4: {  	s0 =	sadd.s32 s17, s10;
	s29 =	sor.u32 $0x100, s2;
	s28 =	sadd.s32 s17, s14;
	v6 =	vld [tilespmem:s26+$0x40]  }
0xf5: {  	s17 =	sor.u32 $0x180, s2;
	s31 =	sor.u32 s29, s10;
	s29 =	sor.u32 s29, s14;
	v9 =	vld [tilespmem:s28+$0x40];
	[tilespmem:s11+$0x30] =	vst v8;
	v8 =	vadd.f32 v12, v11  }
0xf6: {  	s2 =	sadd.s32 s17, s10;
	s14 =	sadd.s32 s17, s14;
	s10 =	smov.u32 s30;
	v10 =	vld [tilespmem:s29+$0x40]  }
0xf7: {  	v11 =	vld [tilespmem:s14+$0x40];
	v5 =	vadd.f32 v8, v5;
	v3 =	vadd.f32 v3, v7  }
0xf8: {  	v7 =	vld [tilespmem:s13+$0x0]  }
0xf9: {  	v8 =	vld [tilespmem:s0+$0x0];
	[tilespmem:s11+$0x70] =	vst v5  }
0xfa: {  	v5 =	vld [tilespmem:s31+$0x0]  }
0xfb: {  	v12 =	vld [tilespmem:s2+$0x0]  }
0xfc: {  	s11 =	sshll.u32 s12, $0x3;
	v6 =	vadd.f32 v9, v6;
	v13 =	vld [tilespmem:s13+$0x40];
	v9 =	vadd.f32 v11, v10  }
0xfd: {  	s11 =	sand.u32 $0xFFFFFF80, s11;
	v10 =	vld [tilespmem:s0+$0x40]  }
0xfe: {  	s15 =	sadd.s32 s11, s15;
	s16 =	sadd.s32 s11, s16;
	v7 =	vadd.f32 v8, v7;
	v8 =	vld [tilespmem:s31+$0x40];
	v6 =	vadd.f32 v9, v6  }
0xff: {  	s11 =	sadd.s32 $0x10080, s15;
	s30 =	sadd.s32 $0x10080, s16;
	v9 =	vld [tilespmem:s2+$0x40]  }
0x100: {  	v5 =	vadd.f32 v12, v5;
	v11 =	vld [tilespmem:s26+$0x0];
	[tilespmem:s30+$0x40] =	vst v6  }
0x101: {  	v6 =	vld [tilespmem:s26+$0x50]  }
0x102: {  	v5 =	vadd.f32 v5, v7;
	v7 =	vadd.f32 v10, v13;
	v10 =	vld [tilespmem:s28+$0x50]  }
0x103: {  	v12 =	vld [tilespmem:s29+$0x50]  }
0x104: {  	[tilespmem:s15+$0x10080] =	vst v5;
	v5 =	vadd.f32 v9, v8;
	v8 =	vld [tilespmem:s14+$0x50]  }
0x105: {  	v9 =	vld [tilespmem:s28+$0x0]  }
0x106: {  	v5 =	vadd.f32 v5, v7;
	v7 =	vld [tilespmem:s29+$0x0]  }
0x107: {  	v13 =	vld [tilespmem:s14+$0x0]  }
0x108: {  	v14 =	vld [tilespmem:s13+$0x10];
	[tilespmem:s11+$0x40] =	vst v5  }
0x109: {  	v6 =	vadd.f32 v10, v6;
	v5 =	vld [tilespmem:s0+$0x10];
	v8 =	vadd.f32 v8, v12  }
0x10a: {  	v10 =	vld [tilespmem:s31+$0x10];
	v9 =	vadd.f32 v9, v11  }
0x10b: {  	v11 =	vld [tilespmem:s2+$0x10];
	v6 =	vadd.f32 v8, v6  }
0x10c: {  	v8 =	vld [tilespmem:s13+$0x50];
	v7 =	vadd.f32 v13, v7  }
0x10d: {  	v12 =	vld [tilespmem:s0+$0x50];
	[tilespmem:s30+$0x50] =	vst v6  }
0x10e: {  	v5 =	vadd.f32 v5, v14;
	v6 =	vadd.f32 v7, v9;
	v7 =	vld [tilespmem:s26+$0x60]  }
0x10f: {  	v9 =	vld [tilespmem:s28+$0x60]  }
0x110: {  	v10 =	vadd.f32 v11, v10;
	[tilespmem:s16+$0x10080] =	vst v6;
	v6 =	vld [tilespmem:s29+$0x60]  }
0x111: {  	v11 =	vld [tilespmem:s14+$0x60]  }
0x112: {  	v5 =	vadd.f32 v10, v5;
	v8 =	vadd.f32 v12, v8;
	v10 =	vld [tilespmem:s31+$0x50]  }
0x113: {  	v12 =	vld [tilespmem:s2+$0x50]  }
0x114: {  	[tilespmem:s11+$0x10] =	vst v5;
	v5 =	vld [tilespmem:s26+$0x10]  }
0x115: {  	v13 =	vld [tilespmem:s28+$0x10]  }
0x116: {  	v7 =	vadd.f32 v9, v7;
	v14 =	vld [tilespmem:s29+$0x10];
	v6 =	vadd.f32 v11, v6  }
0x117: {  	v9 =	vld [tilespmem:s14+$0x10]  }
0x118: {  	v11 =	vld [tilespmem:s13+$0x20];
	v10 =	vadd.f32 v12, v10;
	v6 =	vadd.f32 v6, v7  }
0x119: {  	v7 =	vld [tilespmem:s0+$0x20]  }
0x11a: {  	v12 =	vld [tilespmem:s31+$0x20];
	v8 =	vadd.f32 v10, v8;
	v5 =	vadd.f32 v13, v5;
	[tilespmem:s30+$0x60] =	vst v6  }
0x11b: {  	v6 =	vld [tilespmem:s26+$0x70]  }
0x11c: {  	[tilespmem:s11+$0x50] =	vst v8;
	v8 =	vadd.f32 v9, v14;
	v9 =	vld [tilespmem:s28+$0x70]  }
0x11d: {  	v10 =	vld [tilespmem:s29+$0x70]  }
0x11e: {  	v7 =	vadd.f32 v7, v11;
	v5 =	vadd.f32 v8, v5;
	v8 =	vld [tilespmem:s14+$0x70]  }
0x11f: {  	v11 =	vld [tilespmem:s2+$0x20]  }
0x120: {  	v13 =	vld [tilespmem:s13+$0x60];
	[tilespmem:s30+$0x10] =	vst v5  }
0x121: {  	v5 =	vld [tilespmem:s0+$0x60]  }
0x122: {  	v14 =	vld [tilespmem:s31+$0x60]  }
0x123: {  	v6 =	vadd.f32 v9, v6;
	v15 =	vld [tilespmem:s2+$0x60];
	v8 =	vadd.f32 v8, v10  }
0x124: {  	v9 =	vadd.f32 v11, v12;
	v12 =	vld [tilespmem:s26+$0x20]  }
0x125: {  	v16 =	vld [tilespmem:s28+$0x20];
	v6 =	vadd.f32 v8, v6  }
0x126: {  	v7 =	vadd.f32 v9, v7;
	v5 =	vadd.f32 v5, v13;
	v13 =	vld [tilespmem:s29+$0x20]  }
0x127: {  	v17 =	vld [tilespmem:s14+$0x20];
	[tilespmem:s30+$0x70] =	vst v6  }
0x128: {  	[tilespmem:s11+$0x20] =	vst v7;
	v6 =	vadd.f32 v15, v14;
	v14 =	vld [tilespmem:s25+$0x30];
	s25 =	smov.u32 s14  }
.Ltmp0:
0x129: {  	v10 =	vld [tilespmem:s13+$0x30];
	(pc) =	sbr.rel @p1 .LBB2_3-.Ltmp0, $4  }
0x12a: {  	v11 =	vld [tilespmem:s0+$0x30];
	v5 =	vadd.f32 v6, v5;
	v8 =	vadd.f32 v16, v12  }
0x12b: {  	v9 =	vld [tilespmem:s31+$0x30]  }
0x12c: {  	v7 =	vld [tilespmem:s2+$0x30];
	[tilespmem:s11+$0x60] =	vst v5;
	v12 =	vadd.f32 v17, v13  }
0x12d: {  	v5 =	vld [tilespmem:s13+$0x70];
	v4 =	vadd.f32 v14, v4  }
0x12e: {  	v6 =	vld [tilespmem:s0+$0x70];
	v8 =	vadd.f32 v12, v8  }
0x12f: {  	v12 =	vld [tilespmem:s31+$0x70]  }
0x130: {  	v13 =	vld [tilespmem:s2+$0x70];
	[tilespmem:s30+$0x20] =	vst v8  }
0x131: {  	v8 =	vld [tilespmem:s26+$0x30]  }
0x132: {  	v14 =	vld [tilespmem:s28+$0x30]  }
0x133: {  	v15 =	vld [tilespmem:s29+$0x30]  }
0x134: {  	v16 =	vld [tilespmem:s25+$0x30]  }
0x135: {  	v10 =	vadd.f32 v11, v10;
	v7 =	vadd.f32 v7, v9;
	_ =	sdelay $0x1  }
0x136: {  	v3 =	vadd.f32 v4, v3;
	v4 =	vadd.f32 v7, v10  }
0x137: {  	v5 =	vadd.f32 v6, v5;
	v6 =	vadd.f32 v13, v12  }
0x138: {  	v7 =	vadd.f32 v14, v8;
	v8 =	vadd.f32 v16, v15  }
0x139: {  	[tilespmem:s10+$0x30] =	vst v3;
	v3 =	vadd.f32 v6, v5  }
0x13a: {  	[tilespmem:s11+$0x30] =	vst v4;
	v4 =	vadd.f32 v8, v7  }
0x13b: {  	s14 =	sshll.u32 s9, $0xB;
	[tilespmem:s11+$0x70] =	vst v3  }
0x13c: {  	s0 =	sadd.s32 s14, s8;
	[tilespmem:s30+$0x30] =	vst v4  }
0x13d: {  	[hbm4b:s0+s3] =	stream.linear.scatter [tilespmem:s22], [sflag:$0x3], $0x2000, $0x38;
	[tilespmem:$0x14080] =	vst v63  }
0x13e: {  	s0 =	simm.s32 @!p0 $0x2  }
0x13f: {  	_ =	swait.ge @!p0 [sflag:s0], $0x8000  }
0x140: {  	[sflag:s0] =	ssyncset.done @!p0 $0x0  }
0x141: {  	[sflag:s0] =	ssyncadd.s32 @!p0 $0xFFFF8000;
	s0 =	simm.s32 @!p0 $0x4  }
0x142: {  	_ =	swait.ge @!p0 [sflag:s0], $0x2000  }
0x143: {  	[sflag:s0] =	ssyncset.done @!p0 $0x0  }
0x144: {  	[sflag:s0] =	ssyncadd.s32 @!p0 $0xFFFFE000  }
0x145: {  	v3 =	vld @p0 [tilespmem:$0x40];
	_ =	sdelay $0x4  }
0x146: {  	v4 =	vshll.u32 @p0 v3, $0x3  }
0x147: {  	v5 =	vlaneseq.u32 @p0;
	v3 =	vand.u32 @p0 $0x7, v3;
	v4 =	vand.u32 @p0 $0xFFFFFFC0, v4  }
0x148: {  	v6 =	vshrl.u32 @p0 v5, $0x3;
	v3 =	vor.u32 @p0 v3, v4;
	v4 =	vand.u32 @p0 $0x7, v5  }
0x149: {  	v6 =	vmul.u32 @p0 $0x8, v6;
	v7 =	vperm.xlane @p0 v3, v4;
	_ =	sdelay $0x1  }
0x14a: {  	v7 =	vadd.s32 @p0 v6, v7;
	_ =	sdelay $0x3  }
0x14b: {  	vm1 =	vmmov @p0 $0xffff;
	s2 =	simm.s32 @p0 $0x80;
	s0 =	simm.s32 @p0 $0x0  }
0x14c: {  	v5 =	vor.u32 @p0 $0x8, v5;
	[tilespmem:s2], [sflag:$0x1] =	stream.indirect_vreg.gather @p0 [hbm4b:s1+s0], $0x80, v7, vm1, $0xb8;
	[tilespmem:$0x14080] =	vst v63  }
0x14d: {  	v3 =	vperm.xlane @p0 v3, v5;
	s2 =	simm.s32 @p0 $0x880  }
0x14e: {  	[tilespmem:s2], [sflag:$0x1] =	stream.indirect_vreg.gather @p0 [hbm4b:s5+s0], $0x80, v7, vm1, $0xb8;
	[tilespmem:$0x14080] =	vst v63  }
0x14f: {  	v3 =	vadd.s32 @p0 v6, v3;
	s2 =	simm.s32 @p0 $0x1080  }
0x150: {  	[tilespmem:s2], [sflag:$0x1] =	stream.indirect_vreg.gather @p0 [hbm4b:s6+s0], $0x80, v7, vm1, $0xb8;
	[tilespmem:$0x14080] =	vst v63  }
0x151: {  	s2 =	simm.s32 @p0 $0x1880  }
0x152: {  	[tilespmem:s2], [sflag:$0x1] =	stream.indirect_vreg.gather @p0 [hbm4b:s7+s0], $0x80, v7, vm1, $0xb8;
	[tilespmem:$0x14080] =	vst v63  }
0x153: {  	s2 =	simm.s32 @p0 $0x2080  }
0x154: {  	[tilespmem:s2], [sflag:$0x1] =	stream.indirect_vreg.gather @p0 [hbm4b:s1+s0], $0x80, v3, vm1, $0xb8;
	[tilespmem:$0x14080] =	vst v63  }
0x155: {  	s2 =	simm.s32 @p0 $0x2880  }
0x156: {  	[tilespmem:s2], [sflag:$0x1] =	stream.indirect_vreg.gather @p0 [hbm4b:s5+s0], $0x80, v3, vm1, $0xb8;
	[tilespmem:$0x14080] =	vst v63  }
0x157: {  	s2 =	simm.s32 @p0 $0x3080  }
0x158: {  	[tilespmem:s2], [sflag:$0x1] =	stream.indirect_vreg.gather @p0 [hbm4b:s6+s0], $0x80, v3, vm1, $0xb8;
	[tilespmem:$0x14080] =	vst v63  }
0x159: {  	s2 =	simm.s32 @p0 $0x3880  }
0x15a: {  	[tilespmem:s2], [sflag:$0x1] =	stream.indirect_vreg.gather @p0 [hbm4b:s7+s0], $0x80, v3, vm1, $0xb8;
	[tilespmem:$0x14080] =	vst v63  }
0x15b: {  	v3 =	vld @p0 [tilespmem:$0x50];
	_ =	sdelay $0x4  }
0x15c: {  	v7 =	vshll.u32 @p0 v3, $0x3  }
0x15d: {  	v3 =	vand.u32 @p0 $0x7, v3;
	v7 =	vand.u32 @p0 $0xFFFFFFC0, v7  }
0x15e: {  	v3 =	vor.u32 @p0 v3, v7  }
0x15f: {  	v4 =	vperm.xlane @p0 v3, v4;
	_ =	sdelay $0x1  }
0x160: {  	v4 =	vadd.s32 @p0 v6, v4;
	_ =	sdelay $0x3  }
0x161: {  	s2 =	simm.s32 @p0 $0x4080  }
0x162: {  	[tilespmem:s2], [sflag:$0x1] =	stream.indirect_vreg.gather @p0 [hbm4b:s1+s0], $0x80, v4, vm1, $0xb8;
	[tilespmem:$0x14080] =	vst v63  }
0x163: {  	v3 =	vperm.xlane @p0 v3, v5;
	s2 =	simm.s32 @p0 $0x4880  }
0x164: {  	[tilespmem:s2], [sflag:$0x1] =	stream.indirect_vreg.gather @p0 [hbm4b:s5+s0], $0x80, v4, vm1, $0xb8;
	[tilespmem:$0x14080] =	vst v63  }
0x165: {  	v3 =	vadd.s32 @p0 v6, v3;
	s2 =	simm.s32 @p0 $0x5080  }
0x166: {  	[tilespmem:s2], [sflag:$0x1] =	stream.indirect_vreg.gather @p0 [hbm4b:s6+s0], $0x80, v4, vm1, $0xb8;
	[tilespmem:$0x14080] =	vst v63  }
0x167: {  	s2 =	simm.s32 @p0 $0x5880  }
0x168: {  	[tilespmem:s2], [sflag:$0x1] =	stream.indirect_vreg.gather @p0 [hbm4b:s7+s0], $0x80, v4, vm1, $0xb8;
	[tilespmem:$0x14080] =	vst v63  }
0x169: {  	s2 =	simm.s32 @p0 $0x6080  }
0x16a: {  	[tilespmem:s2], [sflag:$0x1] =	stream.indirect_vreg.gather @p0 [hbm4b:s1+s0], $0x80, v3, vm1, $0xb8;
	[tilespmem:$0x14080] =	vst v63  }
0x16b: {  	s2 =	simm.s32 @p0 $0x6880  }
0x16c: {  	[tilespmem:s2], [sflag:$0x1] =	stream.indirect_vreg.gather @p0 [hbm4b:s5+s0], $0x80, v3, vm1, $0xb8;
	[tilespmem:$0x14080] =	vst v63  }
0x16d: {  	s15 =	simm.s32 $0x0;
	s2 =	simm.s32 @p0 $0x7080  }
0x16e: {  	[tilespmem:s2], [sflag:$0x1] =	stream.indirect_vreg.gather @p0 [hbm4b:s6+s0], $0x80, v3, vm1, $0xb8;
	[tilespmem:$0x14080] =	vst v63  }
0x16f: {  	s16 =	simm.s32 $0x0;
	s24 =	simm.s32 $0x0;
	s2 =	simm.s32 @p0 $0x7880  }
0x170: {  	[tilespmem:s2], [sflag:$0x1] =	stream.indirect_vreg.gather @p0 [hbm4b:s7+s0], $0x80, v3, vm1, $0xb8;
	[tilespmem:$0x14080] =	vst v63  }
0x171: {  	s12 =	sand.u32 $0x1800, s15;
	s17 =	sand.u32 $0x6000, s16;
	s0 =	simm.s32 @p0 $0x2  }
0x172: {  	s15 =	sor.u32 $0x400, s12;
	s25 =	sor.u32 $0x8080, s17;
	_ =	swait.ge @p0 [sflag:s0], $0x8000  }
0x173: {  	s9 =	sand.u32 $0x200, s24;
	s13 =	sor.u32 s15, s25;
	[sflag:s0] =	ssyncset.done @p0 $0x0  }
0x174: {  	s14 =	sor.u32 $0x80, s9;
	s11 =	sor.u32 s9, s13;
	[sflag:s0] =	ssyncadd.s32 @p0 $0xFFFF8000  }
0x175: {  	s16 =	sor.u32 $0x100, s9;
	s0 =	sadd.s32 s14, s13;
	v3 =	vld [tilespmem:s11+$0x40]  }
0x176: {  	s17 =	sor.u32 $0x180, s9;
	s2 =	sor.u32 s16, s13;
	v4 =	vld [tilespmem:s0+$0x40]  }
0x177: {  	s26 =	sor.u32 s12, s25;
	s31 =	sadd.s32 s17, s13;
	v5 =	vld [tilespmem:s2+$0x40]  }
0x178: {  	s10 =	sor.u32 s9, s26;
	v6 =	vld [tilespmem:s31+$0x40]  }
0x179: {  	s24 =	sadd.s32 s14, s26;
	v7 =	vld [tilespmem:s10+$0x0]  }
0x17a: {  	s13 =	sor.u32 s16, s26;
	v8 =	vld [tilespmem:s24+$0x0]  }
0x17b: {  	s17 =	sadd.s32 s17, s26;
	v9 =	vld [tilespmem:s13+$0x0]  }
0x17c: {  	v10 =	vld [tilespmem:s17+$0x0]  }
0x17d: {  	s25 =	simm.s32 $0x0;
	v11 =	vld [tilespmem:s10+$0x40];
	v3 =	vadd.f32 v4, v3;
	v4 =	vadd.f32 v6, v5  }
0x17e: {  	s26 =	sand.u32 $0xFFFFFF80, s25;
	v12 =	vld [tilespmem:s11+$0x0]  }
0x17f: {  	s15 =	sadd.s32 s26, s15;
	v5 =	vld [tilespmem:s24+$0x40];
	v3 =	vadd.f32 v4, v3  }
0x180: {  	s9 =	sadd.s32 $0x12080, s15;
	v6 =	vld [tilespmem:s13+$0x40]  }
0x181: {  	v4 =	vld [tilespmem:s17+$0x40];
	[tilespmem:s9+$0x40] =	vst v3  }
0x182: {  	v3 =	vld [tilespmem:s11+$0x50]  }
0x183: {  	v7 =	vadd.f32 v8, v7;
	v8 =	vadd.f32 v10, v9;
	v13 =	vld [tilespmem:s0+$0x50]  }
0x184: {  	v9 =	vld [tilespmem:s2+$0x50]  }
0x185: {  	v7 =	vadd.f32 v8, v7;
	v10 =	vld [tilespmem:s31+$0x50]  }
0x186: {  	s12 =	sadd.s32 s26, s12;
	v8 =	vld [tilespmem:s0+$0x0]  }
0x187: {  	[tilespmem:s12+$0x12080] =	vst v7;
	v7 =	vld [tilespmem:s31+$0x0];
	v5 =	vadd.f32 v5, v11;
	v4 =	vadd.f32 v4, v6  }
0x188: {  	v11 =	vld [tilespmem:s24+$0x10]  }
0x189: {  	v6 =	vld [tilespmem:s2+$0x0];
	v4 =	vadd.f32 v4, v5  }
0x18a: {  	v5 =	vld [tilespmem:s10+$0x10];
	v3 =	vadd.f32 v13, v3;
	v9 =	vadd.f32 v10, v9  }
0x18b: {  	s12 =	sadd.s32 $0x12080, s12;
	v10 =	vld [tilespmem:s13+$0x10]  }
0x18c: {  	[tilespmem:s12+$0x40] =	vst v4;
	v4 =	vld [tilespmem:s17+$0x10];
	v3 =	vadd.f32 v9, v3  }
0x18d: {  	v9 =	vld [tilespmem:s10+$0x50]  }
0x18e: {  	v13 =	vld [tilespmem:s24+$0x50];
	[tilespmem:s9+$0x50] =	vst v3  }
0x18f: {  	v3 =	vld [tilespmem:s11+$0x60]  }
0x190: {  	v8 =	vadd.f32 v8, v12;
	v6 =	vadd.f32 v7, v6;
	v7 =	vld [tilespmem:s0+$0x60]  }
0x191: {  	v12 =	vld [tilespmem:s2+$0x60]  }
0x192: {  	v6 =	vadd.f32 v6, v8;
	v8 =	vld [tilespmem:s31+$0x60]  }
0x193: {  	v14 =	vld [tilespmem:s13+$0x50]  }
0x194: {  	v5 =	vadd.f32 v11, v5;
	v4 =	vadd.f32 v4, v10;
	[tilespmem:s15+$0x12080] =	vst v6;
	v6 =	vld [tilespmem:s17+$0x50]  }
0x195: {  	v10 =	vld [tilespmem:s11+$0x10]  }
0x196: {  	v11 =	vld [tilespmem:s0+$0x10];
	v4 =	vadd.f32 v4, v5  }
0x197: {  	v15 =	vld [tilespmem:s2+$0x10];
	v3 =	vadd.f32 v7, v3;
	v5 =	vadd.f32 v8, v12  }
0x198: {  	[tilespmem:s12+$0x10] =	vst v4;
	v7 =	vld [tilespmem:s31+$0x10]  }
0x199: {  	v8 =	vld [tilespmem:s10+$0x20];
	v3 =	vadd.f32 v5, v3  }
0x19a: {  	v12 =	vld [tilespmem:s24+$0x20]  }
0x19b: {  	v4 =	vadd.f32 v13, v9;
	v5 =	vadd.f32 v6, v14;
	v6 =	vld [tilespmem:s13+$0x20];
	[tilespmem:s9+$0x60] =	vst v3  }
0x19c: {  	v3 =	vld [tilespmem:s11+$0x70]  }
0x19d: {  	v9 =	vadd.f32 v5, v4;
	v4 =	vld [tilespmem:s0+$0x70]  }
0x19e: {  	v5 =	vld [tilespmem:s2+$0x70]  }
0x19f: {  	v10 =	vadd.f32 v11, v10;
	v7 =	vadd.f32 v7, v15;
	[tilespmem:s12+$0x50] =	vst v9;
	v9 =	vld [tilespmem:s17+$0x20]  }
0x1a0: {  	v11 =	vld [tilespmem:s10+$0x60]  }
0x1a1: {  	v7 =	vadd.f32 v7, v10;
	v10 =	vld [tilespmem:s24+$0x60]  }
0x1a2: {  	v13 =	vld [tilespmem:s13+$0x60]  }
0x1a3: {  	[tilespmem:s9+$0x10] =	vst v7;
	v7 =	vld [tilespmem:s17+$0x60]  }
0x1a4: {  	v8 =	vadd.f32 v12, v8;
	v12 =	vld [tilespmem:s11+$0x20];
	v6 =	vadd.f32 v9, v6  }
0x1a5: {  	v14 =	vld [tilespmem:s0+$0x20]  }
0x1a6: {  	v15 =	vld [tilespmem:s31+$0x20];
	v6 =	vadd.f32 v6, v8  }
0x1a7: {  	v8 =	vld [tilespmem:s2+$0x20]  }
0x1a8: {  	v9 =	vld [tilespmem:s31+$0x70];
	v10 =	vadd.f32 v10, v11;
	[tilespmem:s12+$0x20] =	vst v6;
	v6 =	vadd.f32 v7, v13  }
0x1a9: {  	v11 =	vld [tilespmem:s10+$0x30]  }
0x1aa: {  	v13 =	vld [tilespmem:s24+$0x30];
	v6 =	vadd.f32 v6, v10  }
0x1ab: {  	v7 =	vadd.f32 v14, v12;
	v12 =	vld [tilespmem:s17+$0x30]  }
0x1ac: {  	v10 =	vld [tilespmem:s13+$0x30];
	[tilespmem:s12+$0x60] =	vst v6;
	v6 =	vadd.f32 v15, v8  }
0x1ad: {  	v14 =	vld [tilespmem:s10+$0x70]  }
0x1ae: {  	v15 =	vld [tilespmem:s24+$0x70];
	v6 =	vadd.f32 v6, v7  }
0x1af: {  	s16 =	simm.s32 $0x400;
	v16 =	vld [tilespmem:s13+$0x70];
	s10 =	simm.s32 $0x800  }
0x1b0: {  	s15 =	sand.u32 $0x6000, s16;
	v17 =	vld [tilespmem:s17+$0x70];
	s14 =	sand.u32 $0x1800, s10;
	[tilespmem:s9+$0x20] =	vst v6  }
0x1b1: {  	s15 =	sor.u32 $0x8080, s15;
	s17 =	simm.s32 $0x80;
	s16 =	sor.u32 $0x400, s14;
	v7 =	vld [tilespmem:s11+$0x30]  }
0x1b2: {  	s24 =	sor.u32 s16, s15;
	s11 =	sand.u32 $0x200, s17;
	v8 =	vld [tilespmem:s0+$0x30]  }
0x1b3: {  	s15 =	sor.u32 s14, s15;
	v6 =	vld [tilespmem:s2+$0x30];
	s25 =	sor.u32 s11, s24  }
0x1b4: {  	s0 =	sor.u32 $0x80, s11;
	s13 =	sor.u32 s11, s15;
	v18 =	vld [tilespmem:s25+$0x40]  }
0x1b5: {  	s17 =	sor.u32 $0x100, s11;
	s26 =	sadd.s32 s0, s24;
	v22 =	vld [tilespmem:s13+$0x0]  }
0x1b6: {  	s29 =	sor.u32 $0x180, s11;
	s28 =	sor.u32 s17, s24;
	v19 =	vld [tilespmem:s26+$0x40]  }
0x1b7: {  	s24 =	sadd.s32 s29, s24;
	v20 =	vld [tilespmem:s28+$0x40]  }
0x1b8: {  	v21 =	vld [tilespmem:s24+$0x40]  }
0x1b9: {  	v26 =	vld [tilespmem:s13+$0x40]  }
0x1ba: {  	s2 =	sadd.s32 s0, s15;
	v27 =	vld [tilespmem:s25+$0x0]  }
0x1bb: {  	s0 =	sor.u32 s17, s15;
	v23 =	vld [tilespmem:s2+$0x0]  }
0x1bc: {  	s30 =	sadd.s32 s29, s15;
	v24 =	vld [tilespmem:s0+$0x0]  }
0x1bd: {  	s15 =	simm.s32 $0x20;
	v25 =	vld [tilespmem:s30+$0x0];
	v18 =	vadd.f32 v19, v18;
	v60 =	vadd.f32 v21, v20  }
0x1be: {  	s11 =	sand.u32 $0xFFFFFF80, s15;
	v61 =	vld [tilespmem:s2+$0x40]  }
0x1bf: {  	v32 =	vld [tilespmem:s26+$0x0];
	s17 =	sadd.s32 s11, s16;
	v18 =	vadd.f32 v60, v18  }
0x1c0: {  	v33 =	vld [tilespmem:s28+$0x0];
	s29 =	sadd.s32 $0x12080, s17  }
0x1c1: {  	v34 =	vld [tilespmem:s24+$0x0];
	[tilespmem:s29+$0x40] =	vst v18  }
0x1c2: {  	v18 =	vld [tilespmem:s25+$0x50]  }
0x1c3: {  	v22 =	vadd.f32 v23, v22;
	v29 =	vadd.f32 v25, v24;
	v28 =	vld [tilespmem:s26+$0x50]  }
0x1c4: {  	v30 =	vld [tilespmem:s28+$0x50]  }
0x1c5: {  	v22 =	vadd.f32 v29, v22;
	v31 =	vld [tilespmem:s24+$0x50]  }
0x1c6: {  	v62 =	vld [tilespmem:s0+$0x40];
	s11 =	sadd.s32 s11, s14  }
0x1c7: {  	v63 =	vld [tilespmem:s30+$0x40];
	v23 =	vadd.f32 v32, v27;
	v21 =	vadd.f32 v34, v33;
	[tilespmem:s11+$0x12080] =	vst v22  }
0x1c8: {  	v35 =	vld [tilespmem:s13+$0x10]  }
0x1c9: {  	v21 =	vadd.f32 v21, v23;
	v36 =	vld [tilespmem:s2+$0x10]  }
0x1ca: {  	v37 =	vld [tilespmem:s0+$0x10];
	v18 =	vadd.f32 v28, v18;
	v24 =	vadd.f32 v31, v30  }
0x1cb: {  	[tilespmem:s17+$0x12080] =	vst v21;
	v38 =	vld [tilespmem:s30+$0x10]  }
0x1cc: {  	v45 =	vld [tilespmem:s25+$0x10];
	v18 =	vadd.f32 v24, v18  }
0x1cd: {  	v46 =	vld [tilespmem:s26+$0x10]  }
0x1ce: {  	v20 =	vadd.f32 v61, v26;
	v19 =	vadd.f32 v63, v62;
	v47 =	vld [tilespmem:s28+$0x10];
	[tilespmem:s29+$0x50] =	vst v18  }
0x1cf: {  	v18 =	vld [tilespmem:s25+$0x60]  }
0x1d0: {  	v19 =	vadd.f32 v19, v20;
	v41 =	vld [tilespmem:s26+$0x60]  }
0x1d1: {  	s11 =	sadd.s32 $0x12080, s11;
	v42 =	vld [tilespmem:s28+$0x60]  }
0x1d2: {  	[tilespmem:s11+$0x40] =	vst v19;
	v43 =	vld [tilespmem:s24+$0x60]  }
0x1d3: {  	v39 =	vld [tilespmem:s13+$0x50];
	v20 =	vadd.f32 v36, v35;
	v19 =	vadd.f32 v38, v37  }
0x1d4: {  	v40 =	vld [tilespmem:s2+$0x50]  }
0x1d5: {  	v29 =	vld [tilespmem:s0+$0x50];
	v19 =	vadd.f32 v19, v20  }
0x1d6: {  	v44 =	vld [tilespmem:s30+$0x50]  }
0x1d7: {  	v49 =	vld [tilespmem:s24+$0x10];
	[tilespmem:s11+$0x10] =	vst v19;
	v18 =	vadd.f32 v41, v18;
	v48 =	vadd.f32 v43, v42  }
0x1d8: {  	v50 =	vld [tilespmem:s13+$0x20]  }
0x1d9: {  	v51 =	vld [tilespmem:s2+$0x20];
	v18 =	vadd.f32 v48, v18  }
0x1da: {  	v52 =	vld [tilespmem:s0+$0x20]  }
0x1db: {  	v53 =	vadd.f32 v40, v39;
	v21 =	vadd.f32 v44, v29;
	v59 =	vld [tilespmem:s30+$0x20];
	[tilespmem:s29+$0x60] =	vst v18  }
0x1dc: {  	v54 =	vld [tilespmem:s25+$0x70]  }
0x1dd: {  	v18 =	vadd.f32 v21, v53;
	v55 =	vld [tilespmem:s26+$0x70]  }
0x1de: {  	v56 =	vld [tilespmem:s28+$0x70]  }
0x1df: {  	v58 =	vadd.f32 v49, v47;
	v20 =	vadd.f32 v46, v45;
	v57 =	vld [tilespmem:s24+$0x70];
	[tilespmem:s11+$0x50] =	vst v18  }
0x1e0: {  	v60 =	vld [tilespmem:s13+$0x60]  }
0x1e1: {  	v18 =	vadd.f32 v58, v20;
	v61 =	vld [tilespmem:s2+$0x60]  }
0x1e2: {  	v3 =	vadd.f32 v4, v3;
	v4 =	vadd.f32 v9, v5;
	v5 =	vld [tilespmem:s0+$0x60]  }
0x1e3: {  	v9 =	vadd.f32 v13, v11;
	v10 =	vadd.f32 v12, v10;
	v11 =	vld [tilespmem:s30+$0x60];
	[tilespmem:s29+$0x10] =	vst v18  }
0x1e4: {  	v12 =	vadd.f32 v51, v50;
	v13 =	vadd.f32 v59, v52;
	v18 =	vld [tilespmem:s25+$0x20]  }
0x1e5: {  	v14 =	vadd.f32 v15, v14;
	v15 =	vadd.f32 v17, v16;
	v62 =	vld [tilespmem:s26+$0x20]  }
0x1e6: {  	v3 =	vadd.f32 v4, v3;
	v4 =	vadd.f32 v13, v12;
	v12 =	vld [tilespmem:s28+$0x20]  }
0x1e7: {  	v9 =	vadd.f32 v10, v9;
	v13 =	vadd.f32 v15, v14;
	v14 =	vld [tilespmem:s24+$0x20]  }
0x1e8: {  	v63 =	vld [tilespmem:s31+$0x30];
	[tilespmem:s11+$0x20] =	vst v4;
	v15 =	vadd.f32 v61, v60;
	v4 =	vadd.f32 v11, v5  }
0x1e9: {  	[tilespmem:s9+$0x70] =	vst v3;
	v10 =	vld [tilespmem:s13+$0x30];
	v3 =	vadd.f32 v55, v54;
	v5 =	vadd.f32 v57, v56  }
0x1ea: {  	[tilespmem:s12+$0x30] =	vst v9;
	v11 =	vld [tilespmem:s2+$0x30];
	v4 =	vadd.f32 v4, v15  }
0x1eb: {  	[tilespmem:s12+$0x70] =	vst v13;
	v9 =	vld [tilespmem:s0+$0x30];
	v5 =	vadd.f32 v5, v3;
	v3 =	vadd.f32 v8, v7  }
0x1ec: {  	v8 =	vadd.f32 v62, v18;
	v7 =	vld [tilespmem:s30+$0x30];
	v12 =	vadd.f32 v14, v12;
	[tilespmem:s11+$0x60] =	vst v4  }
0x1ed: {  	s12 =	simm.s32 $0x4;
	[tilespmem:s29+$0x70] =	vst v5;
	v4 =	vadd.f32 v63, v6;
	v5 =	vld [tilespmem:s13+$0x70]  }
.LBB2_5:
0x1ee: {  	s12 =	sadd.s32 $0x4, s12;
	v6 =	vld [tilespmem:s2+$0x70];
	v8 =	vadd.f32 v12, v8  }
0x1ef: {  	s10 =	sadd.s32 $0x800, s10;
	s2 =	sshll.u32 s12, $0x8;
	p1 =	slt.u32 s12, $0x7C;
	v10 =	vadd.f32 v11, v10;
	v11 =	vld [tilespmem:s0+$0x70];
	v3 =	vadd.f32 v4, v3  }
0x1f0: {  	s15 =	sand.u32 $0x1800, s10;
	s0 =	sand.u32 $0x6000, s2;
	v12 =	vld [tilespmem:s30+$0x70];
	[tilespmem:s29+$0x20] =	vst v8  }
0x1f1: {  	s2 =	sshll.u32 s12, $0x5;
	s16 =	sor.u32 $0x400, s15;
	s0 =	sor.u32 $0x8080, s0;
	v4 =	vadd.f32 v7, v9;
	v7 =	vld [tilespmem:s25+$0x30];
	[tilespmem:s9+$0x30] =	vst v3  }
0x1f2: {  	s9 =	sand.u32 $0x200, s2;
	s14 =	sor.u32 s15, s0;
	s17 =	sor.u32 s16, s0;
	v3 =	vld [tilespmem:s26+$0x30]  }
0x1f3: {  	s0 =	sor.u32 $0x80, s9;
	s13 =	sor.u32 s9, s14;
	s25 =	sor.u32 s9, s17;
	v8 =	vadd.f32 v4, v10;
	v5 =	vadd.f32 v6, v5;
	v4 =	vld [tilespmem:s28+$0x30]  }
0x1f4: {  	s2 =	sadd.s32 s0, s14;
	s28 =	sor.u32 $0x100, s9;
	s26 =	sadd.s32 s0, s17;
	v6 =	vld [tilespmem:s25+$0x40]  }
0x1f5: {  	s9 =	sor.u32 $0x180, s9;
	s0 =	sor.u32 s28, s14;
	s28 =	sor.u32 s28, s17;
	v9 =	vld [tilespmem:s26+$0x40];
	[tilespmem:s11+$0x30] =	vst v8;
	v8 =	vadd.f32 v12, v11  }
0x1f6: {  	s30 =	sadd.s32 s9, s14;
	s14 =	sadd.s32 s9, s17;
	s9 =	smov.u32 s29;
	v10 =	vld [tilespmem:s28+$0x40]  }
0x1f7: {  	v11 =	vld [tilespmem:s14+$0x40];
	v5 =	vadd.f32 v8, v5;
	v3 =	vadd.f32 v3, v7  }
0x1f8: {  	v7 =	vld [tilespmem:s13+$0x0]  }
0x1f9: {  	v8 =	vld [tilespmem:s2+$0x0];
	[tilespmem:s11+$0x70] =	vst v5  }
0x1fa: {  	v5 =	vld [tilespmem:s0+$0x0]  }
0x1fb: {  	v12 =	vld [tilespmem:s30+$0x0]  }
0x1fc: {  	s11 =	sshll.u32 s12, $0x3;
	v6 =	vadd.f32 v9, v6;
	v13 =	vld [tilespmem:s13+$0x40];
	v9 =	vadd.f32 v11, v10  }
0x1fd: {  	s11 =	sand.u32 $0xFFFFFF80, s11;
	v10 =	vld [tilespmem:s2+$0x40]  }
0x1fe: {  	s15 =	sadd.s32 s11, s15;
	s16 =	sadd.s32 s11, s16;
	v7 =	vadd.f32 v8, v7;
	v8 =	vld [tilespmem:s0+$0x40];
	v6 =	vadd.f32 v9, v6  }
0x1ff: {  	s11 =	sadd.s32 $0x12080, s15;
	s29 =	sadd.s32 $0x12080, s16;
	v9 =	vld [tilespmem:s30+$0x40]  }
0x200: {  	v5 =	vadd.f32 v12, v5;
	v11 =	vld [tilespmem:s25+$0x0];
	[tilespmem:s29+$0x40] =	vst v6  }
0x201: {  	v6 =	vld [tilespmem:s25+$0x50]  }
0x202: {  	v5 =	vadd.f32 v5, v7;
	v7 =	vadd.f32 v10, v13;
	v10 =	vld [tilespmem:s26+$0x50]  }
0x203: {  	v12 =	vld [tilespmem:s28+$0x50]  }
0x204: {  	[tilespmem:s15+$0x12080] =	vst v5;
	v5 =	vadd.f32 v9, v8;
	v8 =	vld [tilespmem:s14+$0x50]  }
0x205: {  	v9 =	vld [tilespmem:s26+$0x0]  }
0x206: {  	v5 =	vadd.f32 v5, v7;
	v7 =	vld [tilespmem:s28+$0x0]  }
0x207: {  	v13 =	vld [tilespmem:s14+$0x0]  }
0x208: {  	v14 =	vld [tilespmem:s13+$0x10];
	[tilespmem:s11+$0x40] =	vst v5  }
0x209: {  	v6 =	vadd.f32 v10, v6;
	v5 =	vld [tilespmem:s2+$0x10];
	v8 =	vadd.f32 v8, v12  }
0x20a: {  	v10 =	vld [tilespmem:s0+$0x10];
	v9 =	vadd.f32 v9, v11  }
0x20b: {  	v11 =	vld [tilespmem:s30+$0x10];
	v6 =	vadd.f32 v8, v6  }
0x20c: {  	v8 =	vld [tilespmem:s13+$0x50];
	v7 =	vadd.f32 v13, v7  }
0x20d: {  	v12 =	vld [tilespmem:s2+$0x50];
	[tilespmem:s29+$0x50] =	vst v6  }
0x20e: {  	v5 =	vadd.f32 v5, v14;
	v6 =	vadd.f32 v7, v9;
	v7 =	vld [tilespmem:s25+$0x60]  }
0x20f: {  	v9 =	vld [tilespmem:s26+$0x60]  }
0x210: {  	v10 =	vadd.f32 v11, v10;
	[tilespmem:s16+$0x12080] =	vst v6;
	v6 =	vld [tilespmem:s28+$0x60]  }
0x211: {  	v11 =	vld [tilespmem:s14+$0x60]  }
0x212: {  	v5 =	vadd.f32 v10, v5;
	v8 =	vadd.f32 v12, v8;
	v10 =	vld [tilespmem:s0+$0x50]  }
0x213: {  	v12 =	vld [tilespmem:s30+$0x50]  }
0x214: {  	[tilespmem:s11+$0x10] =	vst v5;
	v5 =	vld [tilespmem:s25+$0x10]  }
0x215: {  	v13 =	vld [tilespmem:s26+$0x10]  }
0x216: {  	v7 =	vadd.f32 v9, v7;
	v14 =	vld [tilespmem:s28+$0x10];
	v6 =	vadd.f32 v11, v6  }
0x217: {  	v9 =	vld [tilespmem:s14+$0x10]  }
0x218: {  	v11 =	vld [tilespmem:s13+$0x20];
	v10 =	vadd.f32 v12, v10;
	v6 =	vadd.f32 v6, v7  }
0x219: {  	v7 =	vld [tilespmem:s2+$0x20]  }
0x21a: {  	v12 =	vld [tilespmem:s0+$0x20];
	v8 =	vadd.f32 v10, v8;
	v5 =	vadd.f32 v13, v5;
	[tilespmem:s29+$0x60] =	vst v6  }
0x21b: {  	v6 =	vld [tilespmem:s25+$0x70]  }
0x21c: {  	[tilespmem:s11+$0x50] =	vst v8;
	v8 =	vadd.f32 v9, v14;
	v9 =	vld [tilespmem:s26+$0x70]  }
0x21d: {  	v10 =	vld [tilespmem:s28+$0x70]  }
0x21e: {  	v7 =	vadd.f32 v7, v11;
	v5 =	vadd.f32 v8, v5;
	v8 =	vld [tilespmem:s14+$0x70]  }
0x21f: {  	v11 =	vld [tilespmem:s30+$0x20]  }
0x220: {  	v13 =	vld [tilespmem:s13+$0x60];
	[tilespmem:s29+$0x10] =	vst v5  }
0x221: {  	v5 =	vld [tilespmem:s2+$0x60]  }
0x222: {  	v14 =	vld [tilespmem:s0+$0x60]  }
0x223: {  	v6 =	vadd.f32 v9, v6;
	v15 =	vld [tilespmem:s30+$0x60];
	v8 =	vadd.f32 v8, v10  }
0x224: {  	v9 =	vadd.f32 v11, v12;
	v12 =	vld [tilespmem:s25+$0x20]  }
0x225: {  	v16 =	vld [tilespmem:s26+$0x20];
	v6 =	vadd.f32 v8, v6  }
0x226: {  	v7 =	vadd.f32 v9, v7;
	v5 =	vadd.f32 v5, v13;
	v13 =	vld [tilespmem:s28+$0x20]  }
0x227: {  	v17 =	vld [tilespmem:s14+$0x20];
	[tilespmem:s29+$0x70] =	vst v6  }
0x228: {  	[tilespmem:s11+$0x20] =	vst v7;
	v6 =	vadd.f32 v15, v14;
	v14 =	vld [tilespmem:s24+$0x30];
	s24 =	smov.u32 s14  }
.Ltmp1:
0x229: {  	v10 =	vld [tilespmem:s13+$0x30];
	(pc) =	sbr.rel @p1 .LBB2_5-.Ltmp1, $4  }
0x22a: {  	v11 =	vld [tilespmem:s2+$0x30];
	v5 =	vadd.f32 v6, v5;
	v8 =	vadd.f32 v16, v12  }
0x22b: {  	v9 =	vld [tilespmem:s0+$0x30]  }
0x22c: {  	v7 =	vld [tilespmem:s30+$0x30];
	[tilespmem:s11+$0x60] =	vst v5;
	v12 =	vadd.f32 v17, v13  }
0x22d: {  	v5 =	vld [tilespmem:s13+$0x70];
	v4 =	vadd.f32 v14, v4  }
0x22e: {  	v6 =	vld [tilespmem:s2+$0x70];
	v8 =	vadd.f32 v12, v8  }
0x22f: {  	v58 =	vld [tilespmem:s0+$0x70]  }
0x230: {  	v13 =	vld [tilespmem:s30+$0x70];
	[tilespmem:s29+$0x20] =	vst v8  }
0x231: {  	v8 =	vld [tilespmem:s25+$0x30]  }
0x232: {  	v14 =	vld [tilespmem:s26+$0x30]  }
0x233: {  	v15 =	vld [tilespmem:s28+$0x30]  }
0x234: {  	v16 =	vld [tilespmem:s24+$0x30]  }
0x235: {  	v10 =	vadd.f32 v11, v10;
	v7 =	vadd.f32 v7, v9;
	_ =	sdelay $0x1  }
0x236: {  	v3 =	vadd.f32 v4, v3;
	v59 =	vadd.f32 v7, v10  }
0x237: {  	v5 =	vadd.f32 v6, v5;
	v60 =	vadd.f32 v13, v58  }
0x238: {  	v61 =	vadd.f32 v14, v8;
	v62 =	vadd.f32 v16, v15  }
.Ltmp2:
0x239: {  	[tilespmem:s9+$0x30] =	vst v3;
	v3 =	vadd.f32 v60, v5;
	(pc) =	sbr.rel @p0 .LBB2_2-.Ltmp2, $4  }
0x23a: {  	[tilespmem:s11+$0x30] =	vst v59;
	v63 =	vadd.f32 v62, v61  }
0x23b: {  	s31 =	sshll.u32 s4, $0xA;
	p1 =	por $0x0, $0x0;
	[tilespmem:s11+$0x70] =	vst v3  }
0x23c: {  	p2 =	por $0x1, $0x1;
	s0 =	sadd.s32 s31, s8;
	s9 =	simm.s32 $0x1;
	[tilespmem:s29+$0x30] =	vst v63  }
0x23d: {  	[hbm4b:s0+s3] =	stream.linear.scatter [tilespmem:s23], [sflag:$0x4], $0x2000, $0x38;
	[tilespmem:$0x14080] =	vst v63  }
0x23e: {  	s0 =	simm.s32 $0x3  }
0x23f: {  	_ =	swait.ge [sflag:s0], $0x2000  }
0x240: {  	[sflag:s0] =	ssyncset.done $0x0  }
0x241: {  	s2 =	simm.s32 $0x4;
	[sflag:s0] =	ssyncadd.s32 $0xFFFFE000  }
0x242: {  	_ =	swait.ge [sflag:s2], $0x2000  }
0x243: {  	s4 =	rddreg [dreg:$0x5]  }
0x244: {  	s31 =	rddreg [dreg:$0x4];
	s4 =	sadd.s32 $0x1, s4  }
0x245: {  	p0 =	sne.s32 s4, s31  }
.Ltmp3:
0x246: {  	_ = 	snop;
	(pc) =	sbr.rel @p0 .LBB2_1-.Ltmp3, $3  }
0x247: {  	_ =	sdelay $0x1  }
0x248: {  	[sflag:s2] =	ssyncset.done $0x0  }
0x249: {  	[sflag:s2] =	ssyncadd.s32 $0xFFFFE000  }
0x24a: {  	_ =	sfence.sel $0x180000  }
0x24b: {  	[bflag:$0x0] =	sbarrier.arrive $0xFFFF  }
0x24c: {  	_ =	strace $0x90000047  }
0x24d: {  	s0 =	stileid.u32;
	[bflag:$0x2] =	sbarrier.arrive $0xFFFF  }
0x24e: {  	p0 =	sne.s32 s0, $0x0;
	s0 =	rddreg [dreg:$0x2]  }
0x24f: {  	s0 =	sadd.s32 @!p0 $0x100000, s0  }
0x250: {  	[sflag:s0] =	ssyncadd.tile.s32 @!p0 $0x1;
	_ =	shalt  }
.Lfunc_end2:
_tile_overlayer_lowered:
.L_overlay_start_2:
0x251: {  	(tag) =	ssettag $0x2  }
0x252: {  	s0 =	rddreg [dreg:$0x0];
	s2 =	stileid.u32  }
0x253: {  	s1 =	rddreg [dreg:$0x1];
	p0 =	sne.s32 s2, $0x0  }
0x254: {  	s3 =	rddreg [dreg:$0x2];
	[bflag:$0x3] =	sbarrier.arrive $0xFFFF;
	s2 =	simm.s32 @!p0 $0x1C05  }
0x255: {  	[timem:s3], [sflag:s2] =	dma.local @!p0 [hbm:s0], s1  }
0x256: {  	s0 =	simm.s32 @!p0 $0x5  }
0x257: {  	_ =	swait.ge @!p0 [sflag:s0], s1  }
0x258: {  	s1 =	ssub.s32 @!p0 $0x0, s1;
	[sflag:s0] =	ssyncset.done @!p0 $0x0  }
0x259: {  	[sflag:s0] =	ssyncadd.s32 @!p0 s1  }
0x25a: {  	[bflag:$0x3] =	sbarrier.arrive $0xFFFF  }
0x25b: {  	_ =	shalt  }

</sc_bundles>
